<compile_context>
chip_gen: v7x
topology: tpu7x:2x2x1
jax: 0.10.2.dev20260603
libtpu: 0.0.44.dev20260713+nightly
codegen_flags: <defaults>
</compile_context>

<pallas_src>
import functools

import jax
import jax.numpy as jnp
from jax import lax
from jax.experimental import pallas as pl
from jax.experimental.pallas import tpu as pltpu
from jax.experimental.pallas import tpu_sc as plsc

L1, N, D = 8192, 2, 512
L2, K = 2048, 16
D_OUT = 512

NC, NS = 2, 16
NW = NC * NS
ROWS_PER_W = L2 // NW
LANES = 16


def _to_key(v):
    return jnp.where(v >= 0x8000, v ^ 0xFFFF, v ^ 0x8000)


def _from_key(k):
    return jnp.where(k >= 0x8000, k ^ 0x8000, k ^ 0xFFFF)


def _key_bits(x):
    b = lax.bitcast_convert_type(x.astype(jnp.bfloat16), jnp.uint16)
    return _to_key(lax.convert_element_type(b, jnp.uint32))


DH = D // 2


def _pack_body(x_ref, o_ref):
    x = x_ref[...]
    o_ref[...] = _key_bits(x[:, :DH]) | (_key_bits(x[:, DH:]) << 16)


def _pack_keys(features2d):
    tile = 2048
    rows = L1 * N
    return pl.pallas_call(
        _pack_body,
        grid=(rows // tile,),
        in_specs=[pl.BlockSpec((tile, D), lambda i: (i, 0))],
        out_specs=pl.BlockSpec((tile, DH), lambda i: (i, 0)),
        out_shape=jax.ShapeDtypeStruct((rows, DH), jnp.uint32),
    )(features2d)


def _gather_max_body(feat_hbm, idx_hbm, out_hbm, idx_v, gbuf, out_v, sem0, sem1):
    wid = lax.axis_index("s") * NC + lax.axis_index("c")
    base = wid * ROWS_PER_W
    pltpu.sync_copy(idx_hbm.at[pl.ds(base, ROWS_PER_W)], idx_v)

    sems = (sem0, sem1)

    def start(r, b):
        pltpu.make_async_copy(
            feat_hbm.at[idx_v.at[r]], gbuf.at[b], sems[b]
        ).start()

    def wait(r, b):
        pltpu.make_async_copy(
            feat_hbm.at[idx_v.at[r]], gbuf.at[b], sems[b]
        ).wait()

    start(0, 0)
    start(1, 1)

    HI = jnp.uint32(0xFFFF0000)
    LO = jnp.uint32(0x0000FFFF)

    def compute(r, b):
        def col_body(c, carry):
            col = c * LANES
            x0 = gbuf[b, 0, pl.ds(col, LANES)]
            mh = x0
            ml = x0 & LO
            for k in range(1, K):
                x = gbuf[b, k, pl.ds(col, LANES)]
                mh = jnp.maximum(mh, x)
                ml = jnp.maximum(ml, x & LO)
            out_v[r, pl.ds(col, LANES)] = (mh & HI) | ml
            return carry

        lax.fori_loop(0, D // LANES, col_body, 0, unroll=2)

    def outer(r0, carry):
        for b in range(2):
            r = r0 + b
            wait(r, b)
            compute(r, b)

            @pl.when(r + 2 < ROWS_PER_W)
            def _():
                start(r + 2, b)

        return carry

    lax.fori_loop(0, ROWS_PER_W // 2, lambda i, c: outer(i * 2, c), 0)

    pltpu.sync_copy(out_v, out_hbm.at[pl.ds(base, ROWS_PER_W)])


def _gather_max(feat_packed, indices):
    mesh = plsc.VectorSubcoreMesh(core_axis_name="c", subcore_axis_name="s")
    f = functools.partial(
        pl.kernel,
        out_type=jax.ShapeDtypeStruct((L2, D), jnp.uint32),
        mesh=mesh,
        scratch_types=[
            pltpu.VMEM((ROWS_PER_W, K), jnp.int32),
            pltpu.VMEM((2, K, D), jnp.uint32),
            pltpu.VMEM((ROWS_PER_W, D), jnp.uint32),
            pltpu.SemaphoreType.DMA,
            pltpu.SemaphoreType.DMA,
        ],
    )(_gather_max_body)
    return f(feat_packed, indices)


def _mlp_ln_one(x, w1, b1, w2, b2, g, beta):
    h = jnp.dot(x, w1, preferred_element_type=jnp.float32)
    h = jnp.maximum(h + b1, 0.0)
    y = jnp.dot(h.astype(jnp.bfloat16), w2, preferred_element_type=jnp.float32)
    y = y + b2
    mu = jnp.mean(y, axis=-1, keepdims=True)
    var = jnp.mean(jnp.square(y - mu), axis=-1, keepdims=True)
    return (y - mu) * lax.rsqrt(var + 1e-5) * g + beta


def _unpack_bf16(kw):
    lo = lax.bitcast_convert_type(
        lax.convert_element_type(_from_key(kw & 0xFFFF), jnp.uint16),
        jnp.bfloat16)
    hi = lax.bitcast_convert_type(
        lax.convert_element_type(_from_key(kw >> 16), jnp.uint16),
        jnp.bfloat16)
    return jnp.concatenate([lo, hi], axis=-1)


def _mlp_ln_body(x_ref, w1_ref, b1_ref, w2_ref, b2_ref, g_ref, beta_ref, o_ref):
    ki = x_ref[...]
    xa = _unpack_bf16(ki[:, :DH])
    xb = _unpack_bf16(ki[:, DH:])
    args = (w1_ref[...], b1_ref[...], w2_ref[...], b2_ref[...],
            g_ref[...], beta_ref[...])
    o_ref[:, 0, :] = _mlp_ln_one(xa, *args)
    o_ref[:, 1, :] = _mlp_ln_one(xb, *args)


def _mlp_ln(packed, W1, b1, W2, b2, gamma, beta):
    tile = 256
    grid = (L2 // tile,)
    full = lambda i: (0, 0)
    return pl.pallas_call(
        _mlp_ln_body,
        grid=grid,
        in_specs=[
            pl.BlockSpec((tile, D), lambda i: (i, 0)),
            pl.BlockSpec((D, D_OUT), full),
            pl.BlockSpec((1, D_OUT), full),
            pl.BlockSpec((D_OUT, D_OUT), full),
            pl.BlockSpec((1, D_OUT), full),
            pl.BlockSpec((1, D_OUT), full),
            pl.BlockSpec((1, D_OUT), full),
        ],
        out_specs=pl.BlockSpec((tile, N, D_OUT), lambda i: (i, 0, 0)),
        out_shape=jax.ShapeDtypeStruct((L2, N, D_OUT), jnp.float32),
    )(packed, W1, b1, W2, b2, gamma, beta)


def kernel(features, W1, b1, W2, b2, gamma, beta, indices):
    idx = indices.astype(jnp.int32)
    feat_packed = _pack_keys(features.reshape(L1 * N, D))
    pooled = _gather_max(feat_packed.reshape(L1, D), idx)
    return _mlp_ln(
        pooled,
        W1.astype(jnp.bfloat16),
        b1.reshape(1, D_OUT),
        W2.astype(jnp.bfloat16),
        b2.reshape(1, D_OUT),
        gamma.reshape(1, D_OUT),
        beta.reshape(1, D_OUT),
    )

# --- scband reference (transcript-rebuilt; emitter-appended) ---
"""Pipeline reference for scband-knndownsample-29472065585609 (READ-ONLY COPY).

The authoritative reference and input builder live on the scoring server;
editing this copy changes nothing except your own understanding.
"""

import jax, jax.numpy as jnp
import numpy as np

L1, N, D = 8192, 2, 512
L2, K = 2048, 16
D_OUT = 512

def setup_inputs(seed: int = 0) -> dict:
    key = jax.random.key(seed)
    ks = jax.random.split(key, 8)
    features = jax.random.normal(ks[0], (L1, N, D), dtype=jnp.float32)
    indices = jax.random.randint(ks[1], (L2, K), 0, L1, dtype=jnp.int64)
    # MLP(d, d_out, d_out): Linear(d, d_out) -> ReLU -> Linear(d_out, d_out)
    W1 = jax.random.normal(ks[2], (D, D_OUT), dtype=jnp.float32) * (1.0 / np.sqrt(D))
    b1 = jnp.zeros((D_OUT,), dtype=jnp.float32)
    W2 = jax.random.normal(ks[3], (D_OUT, D_OUT), dtype=jnp.float32) * (1.0 / np.sqrt(D_OUT))
    b2 = jnp.zeros((D_OUT,), dtype=jnp.float32)
    gamma = jnp.ones((D_OUT,), dtype=jnp.float32)
    beta = jnp.zeros((D_OUT,), dtype=jnp.float32)
    return {"features": features, "W1": W1, "b1": b1, "W2": W2, "b2": b2,
            "gamma": gamma, "beta": beta, "indices": indices}

def _layer_norm(x, gamma, beta, eps=1e-5):
    mu = jnp.mean(x, axis=-1, keepdims=True)
    var = jnp.mean(jnp.square(x - mu), axis=-1, keepdims=True)
    return (x - mu) * jax.lax.rsqrt(var + eps) * gamma + beta

def reference(features, W1, b1, W2, b2, gamma, beta, indices):
    # indices.apply_downsample: gather K nearest-neighbor features for each of
    # the L2 downsampled points, then max-pool over the K neighbors.
    gathered = jnp.take(features, indices, axis=0)      # [L2, K, N, D]
    pooled = jnp.max(gathered, axis=1)                  # [L2, N, D]
    h = jnp.dot(pooled, W1) + b1                        # [L2, N, D_OUT]
    h = jax.nn.relu(h)
    h = jnp.dot(h, W2) + b2                             # [L2, N, D_OUT]
    out = _layer_norm(h, gamma, beta)
    return out

if __name__ == "__main__":
    import jax
    _d = setup_inputs()
    print(jax.jit(kernel)(*tuple(_d.values())))

</pallas_src>

<mosaic_0001>
#map = affine_map<(d0, d1) -> (0, 0)>
module attributes {stable_mosaic.version = 14 : i64} {
  func.func @_gather_max_body(%arg0: i32, %arg1: i32, %arg2: memref<8192x512xi32, #tpu.memory_space<hbm>>, %arg3: memref<2048x16xi32, #tpu.memory_space<hbm>>, %arg4: memref<2048x512xi32, #tpu.memory_space<hbm>>, %arg5: memref<64x16xi32, #tpu.memory_space<vmem>>, %arg6: memref<2x16x512xi32, #tpu.memory_space<vmem>>, %arg7: memref<64x512xi32, #tpu.memory_space<vmem>>, %arg8: memref<!tpu.dma_semaphore, #tpu.memory_space<semaphore_mem>>, %arg9: memref<!tpu.dma_semaphore, #tpu.memory_space<semaphore_mem>>) attributes {dimension_semantics = [#tpu.dimension_semantics<core_parallel>, #tpu.dimension_semantics<subcore_parallel>], iteration_bounds = array<i64: 2, 16>, scalar_prefetch = 0 : i64, scratch_operands = 5 : i64, tpu.core_type = #tpu.core_type<sc_vector_subcore>, window_params = [{transform_indices = #map}, {transform_indices = #map}, {transform_indices = #map}]} {
    %mul3A = arith.constant 2 : i32
    %mul3A_0 = arith.muli %arg1, %mul3A : i32
    %add3A = arith.addi %mul3A_0, %arg0 : i32
    %mul3A_1 = arith.constant 64 : i32
    %mul3A_2 = arith.muli %add3A, %mul3A_1 : i32
    "tpu.region"() ({
      %run_scoped3A = tpu.sem_alloc : memref<!tpu.dma_semaphore, #tpu.memory_space<semaphore_mem>>
      %dma_start3A_33 = arith.constant 0 : i32
      %dma_start3A_34 = tpu.memref_slice %arg3[%mul3A_2, %dma_start3A_33] : memref<2048x16xi32, #tpu.memory_space<hbm>> -> memref<64x16xi32, #tpu.memory_space<hbm>>
      %dma_start3A_35 = arith.constant 0 : i32
      %dma_start3A_36 = tpu.memref_slice %arg3[%mul3A_2, %dma_start3A_35] : memref<2048x16xi32, #tpu.memory_space<hbm>> -> memref<64x16xi32, #tpu.memory_space<hbm>>
      tpu.enqueue_dma source(%dma_start3A_36 : memref<64x16xi32, #tpu.memory_space<hbm>>) target(%arg5 : memref<64x16xi32, #tpu.memory_space<vmem>>) target_semaphore(%run_scoped3A : memref<!tpu.dma_semaphore, #tpu.memory_space<semaphore_mem>>)
      %dma_wait3A = arith.constant 0 : i32
      %dma_wait3A_37 = tpu.memref_slice %arg3[%mul3A_2, %dma_wait3A] : memref<2048x16xi32, #tpu.memory_space<hbm>> -> memref<64x16xi32, #tpu.memory_space<hbm>>
      %dma_wait3A_38 = arith.constant 0 : i32
      %dma_wait3A_39 = tpu.memref_slice %arg3[%mul3A_2, %dma_wait3A_38] : memref<2048x16xi32, #tpu.memory_space<hbm>> -> memref<64x16xi32, #tpu.memory_space<hbm>>
      tpu.wait_dma2 semaphore(%run_scoped3A : memref<!tpu.dma_semaphore, #tpu.memory_space<semaphore_mem>>) src(%dma_wait3A_39 : memref<64x16xi32, #tpu.memory_space<hbm>>) dst(%arg5 : memref<64x16xi32, #tpu.memory_space<vmem>>)
      tpu.yield
    }) : () -> ()
    %dma_start3A = arith.constant 0 : i32
    %dma_start3A_3 = arith.constant 0 : i32
    %dma_start3A_4 = arith.constant 0 : i32
    %dma_start3A_5 = arith.constant 0 : i32
    %dma_start3A_6 = tpu.memref_slice %arg6[%dma_start3A_3, %dma_start3A_4, %dma_start3A_5] : memref<2x16x512xi32, #tpu.memory_space<vmem>> -> memref<1x16x512xi32, #tpu.memory_space<vmem>>
    %dma_start3A_7 = tpu.memref_squeeze %dma_start3A_6 : memref<1x16x512xi32, #tpu.memory_space<vmem>> -> memref<16x512xi32, #tpu.memory_space<vmem>>
    %dma_start3A_8 = arith.constant 0 : i32
    %dma_start3A_9 = tpu.memref_slice %arg5[%dma_start3A, %dma_start3A_8] : memref<64x16xi32, #tpu.memory_space<vmem>> -> memref<1x16xi32, #tpu.memory_space<vmem>>
    %dma_start3A_10 = tpu.memref_squeeze %dma_start3A_9 : memref<1x16xi32, #tpu.memory_space<vmem>> -> memref<16xi32, #tpu.memory_space<vmem>>
    %dma_start3A_11 = arith.constant 0 : i32
    %dma_start3A_12 = arith.constant 0 : i32
    %dma_start3A_13 = tpu.memref_slice %arg2[%dma_start3A_11, %dma_start3A_12] : memref<8192x512xi32, #tpu.memory_space<hbm>> -> memref<8192x512xi32, #tpu.memory_space<hbm>>
    tpu.enqueue_indirect_dma source(%dma_start3A_13 : memref<8192x512xi32, #tpu.memory_space<hbm>>) target(%dma_start3A_7 : memref<16x512xi32, #tpu.memory_space<vmem>>) offsets(%dma_start3A_10 : memref<16xi32, #tpu.memory_space<vmem>>) semaphore(%arg8 : memref<!tpu.dma_semaphore, #tpu.memory_space<semaphore_mem>>)
    %dma_start3A_14 = arith.constant 1 : i32
    %dma_start3A_15 = arith.constant 1 : i32
    %dma_start3A_16 = arith.constant 0 : i32
    %dma_start3A_17 = arith.constant 0 : i32
    %dma_start3A_18 = tpu.memref_slice %arg6[%dma_start3A_15, %dma_start3A_16, %dma_start3A_17] : memref<2x16x512xi32, #tpu.memory_space<vmem>> -> memref<1x16x512xi32, #tpu.memory_space<vmem>>
    %dma_start3A_19 = tpu.memref_squeeze %dma_start3A_18 : memref<1x16x512xi32, #tpu.memory_space<vmem>> -> memref<16x512xi32, #tpu.memory_space<vmem>>
    %dma_start3A_20 = arith.constant 0 : i32
    %dma_start3A_21 = tpu.memref_slice %arg5[%dma_start3A_14, %dma_start3A_20] : memref<64x16xi32, #tpu.memory_space<vmem>> -> memref<1x16xi32, #tpu.memory_space<vmem>>
    %dma_start3A_22 = tpu.memref_squeeze %dma_start3A_21 : memref<1x16xi32, #tpu.memory_space<vmem>> -> memref<16xi32, #tpu.memory_space<vmem>>
    %dma_start3A_23 = arith.constant 0 : i32
    %dma_start3A_24 = arith.constant 0 : i32
    %dma_start3A_25 = tpu.memref_slice %arg2[%dma_start3A_23, %dma_start3A_24] : memref<8192x512xi32, #tpu.memory_space<hbm>> -> memref<8192x512xi32, #tpu.memory_space<hbm>>
    tpu.enqueue_indirect_dma source(%dma_start3A_25 : memref<8192x512xi32, #tpu.memory_space<hbm>>) target(%dma_start3A_19 : memref<16x512xi32, #tpu.memory_space<vmem>>) offsets(%dma_start3A_22 : memref<16xi32, #tpu.memory_space<vmem>>) semaphore(%arg9 : memref<!tpu.dma_semaphore, #tpu.memory_space<semaphore_mem>>)
    %scan3A = arith.constant 0 : i32
    %scan3A_26 = arith.constant 65535 : i32
    %scan3A_27 = arith.constant -65536 : i32
    %scan3A_28 = arith.constant 0 : i32
    %scan3A_29 = arith.constant 32 : i32
    %scan3A_30 = arith.addi %scan3A_28, %scan3A_29 : i32
    %scan3A_31 = arith.constant 1 : i32
    scf.for %scan3A_33 = %scan3A_28 to %scan3A_30 step %scan3A_31  : i32 {
      %mul3A_34 = arith.constant 2 : i32
      %mul3A_35 = arith.muli %scan3A_33, %mul3A_34 : i32
      %add3A_36 = arith.constant 0 : i32
      %add3A_37 = arith.addi %mul3A_35, %add3A_36 : i32
      %dma_wait3A = arith.constant 0 : i32
      %dma_wait3A_38 = arith.constant 0 : i32
      %dma_wait3A_39 = arith.constant 0 : i32
      %dma_wait3A_40 = tpu.memref_slice %arg6[%dma_wait3A, %dma_wait3A_38, %dma_wait3A_39] : memref<2x16x512xi32, #tpu.memory_space<vmem>> -> memref<1x16x512xi32, #tpu.memory_space<vmem>>
      %dma_wait3A_41 = tpu.memref_squeeze %dma_wait3A_40 : memref<1x16x512xi32, #tpu.memory_space<vmem>> -> memref<16x512xi32, #tpu.memory_space<vmem>>
      %dma_wait3A_42 = arith.constant 0 : i32
      %dma_wait3A_43 = tpu.memref_slice %arg5[%add3A_37, %dma_wait3A_42] : memref<64x16xi32, #tpu.memory_space<vmem>> -> memref<1x16xi32, #tpu.memory_space<vmem>>
      %dma_wait3A_44 = tpu.memref_squeeze %dma_wait3A_43 : memref<1x16xi32, #tpu.memory_space<vmem>> -> memref<16xi32, #tpu.memory_space<vmem>>
      %dma_wait3A_45 = arith.constant 0 : i32
      %dma_wait3A_46 = arith.constant 0 : i32
      %dma_wait3A_47 = tpu.memref_slice %arg2[%dma_wait3A_45, %dma_wait3A_46] : memref<8192x512xi32, #tpu.memory_space<hbm>> -> memref<8192x512xi32, #tpu.memory_space<hbm>>
      tpu.wait_indirect_dma semaphore(%arg8 : memref<!tpu.dma_semaphore, #tpu.memory_space<semaphore_mem>>) src(%dma_wait3A_47 : memref<8192x512xi32, #tpu.memory_space<hbm>>) dst(%dma_wait3A_41 : memref<16x512xi32, #tpu.memory_space<vmem>>)
      %scan3A_48 = arith.constant 0 : i32
      %scan3A_49 = arith.constant 0 : i32
      %scan3A_50 = arith.constant 32 : i32
      %scan3A_51 = arith.addi %scan3A_49, %scan3A_50 : i32
      %scan3A_52 = arith.constant 2 : i32
      scf.for %scan3A_84 = %scan3A_49 to %scan3A_51 step %scan3A_52  : i32 {
        %mul3A_85 = arith.constant 16 : i32
        %mul3A_86 = arith.muli %scan3A_84, %mul3A_85 : i32
        %get3A = arith.constant 0 : i32
        %get3A_87 = arith.constant 0 : i32
        %get3A_88 = arith.index_cast %get3A : i32 to index
        %get3A_89 = arith.index_cast %get3A_87 : i32 to index
        %get3A_90 = arith.index_cast %mul3A_86 : i32 to index
        %get3A_91 = tpu.vector_load %arg6[%get3A_88, %get3A_89, %get3A_90] {strides = array<i32>} : memref<2x16x512xi32, #tpu.memory_space<vmem>>, vector<1x1x16xi32>,
        %get3A_92 = vector.shape_cast %get3A_91 : vector<1x1x16xi32> to vector<16xi32>
        %and3A = vector.broadcast %scan3A_26 : i32 to vector<16xi32>
        %and3A_93 = arith.andi %get3A_92, %and3A : vector<16xi32>
        %get3A_94 = arith.constant 0 : i32
        %get3A_95 = arith.constant 1 : i32
        %get3A_96 = arith.index_cast %get3A_94 : i32 to index
        %get3A_97 = arith.index_cast %get3A_95 : i32 to index
        %get3A_98 = arith.index_cast %mul3A_86 : i32 to index
        %get3A_99 = tpu.vector_load %arg6[%get3A_96, %get3A_97, %get3A_98] {strides = array<i32>} : memref<2x16x512xi32, #tpu.memory_space<vmem>>, vector<1x1x16xi32>,
        %get3A_100 = vector.shape_cast %get3A_99 : vector<1x1x16xi32> to vector<16xi32>
        %max3A = arith.maxui %get3A_92, %get3A_100 : vector<16xi32>
        %and3A_101 = vector.broadcast %scan3A_26 : i32 to vector<16xi32>
        %and3A_102 = arith.andi %get3A_100, %and3A_101 : vector<16xi32>
        %max3A_103 = arith.maxui %and3A_93, %and3A_102 : vector<16xi32>
        %get3A_104 = arith.constant 0 : i32
        %get3A_105 = arith.constant 2 : i32
        %get3A_106 = arith.index_cast %get3A_104 : i32 to index
        %get3A_107 = arith.index_cast %get3A_105 : i32 to index
        %get3A_108 = arith.index_cast %mul3A_86 : i32 to index
        %get3A_109 = tpu.vector_load %arg6[%get3A_106, %get3A_107, %get3A_108] {strides = array<i32>} : memref<2x16x512xi32, #tpu.memory_space<vmem>>, vector<1x1x16xi32>,
        %get3A_110 = vector.shape_cast %get3A_109 : vector<1x1x16xi32> to vector<16xi32>
        %max3A_111 = arith.maxui %max3A, %get3A_110 : vector<16xi32>
        %and3A_112 = vector.broadcast %scan3A_26 : i32 to vector<16xi32>
        %and3A_113 = arith.andi %get3A_110, %and3A_112 : vector<16xi32>
        %max3A_114 = arith.maxui %max3A_103, %and3A_113 : vector<16xi32>
        %get3A_115 = arith.constant 0 : i32
        %get3A_116 = arith.constant 3 : i32
        %get3A_117 = arith.index_cast %get3A_115 : i32 to index
        %get3A_118 = arith.index_cast %get3A_116 : i32 to index
        %get3A_119 = arith.index_cast %mul3A_86 : i32 to index
        %get3A_120 = tpu.vector_load %arg6[%get3A_117, %get3A_118, %get3A_119] {strides = array<i32>} : memref<2x16x512xi32, #tpu.memory_space<vmem>>, vector<1x1x16xi32>,
        %get3A_121 = vector.shape_cast %get3A_120 : vector<1x1x16xi32> to vector<16xi32>
        %max3A_122 = arith.maxui %max3A_111, %get3A_121 : vector<16xi32>
        %and3A_123 = vector.broadcast %scan3A_26 : i32 to vector<16xi32>
        %and3A_124 = arith.andi %get3A_121, %and3A_123 : vector<16xi32>
        %max3A_125 = arith.maxui %max3A_114, %and3A_124 : vector<16xi32>
        %get3A_126 = arith.constant 0 : i32
        %get3A_127 = arith.constant 4 : i32
        %get3A_128 = arith.index_cast %get3A_126 : i32 to index
        %get3A_129 = arith.index_cast %get3A_127 : i32 to index
        %get3A_130 = arith.index_cast %mul3A_86 : i32 to index
        %get3A_131 = tpu.vector_load %arg6[%get3A_128, %get3A_129, %get3A_130] {strides = array<i32>} : memref<2x16x512xi32, #tpu.memory_space<vmem>>, vector<1x1x16xi32>,
        %get3A_132 = vector.shape_cast %get3A_131 : vector<1x1x16xi32> to vector<16xi32>
        %max3A_133 = arith.maxui %max3A_122, %get3A_132 : vector<16xi32>
        %and3A_134 = vector.broadcast %scan3A_26 : i32 to vector<16xi32>
        %and3A_135 = arith.andi %get3A_132, %and3A_134 : vector<16xi32>
        %max3A_136 = arith.maxui %max3A_125, %and3A_135 : vector<16xi32>
        %get3A_137 = arith.constant 0 : i32
        %get3A_138 = arith.constant 5 : i32
        %get3A_139 = arith.index_cast %get3A_137 : i32 to index
        %get3A_140 = arith.index_cast %get3A_138 : i32 to index
        %get3A_141 = arith.index_cast %mul3A_86 : i32 to index
        %get3A_142 = tpu.vector_load %arg6[%get3A_139, %get3A_140, %get3A_141] {strides = array<i32>} : memref<2x16x512xi32, #tpu.memory_space<vmem>>, vector<1x1x16xi32>,
        %get3A_143 = vector.shape_cast %get3A_142 : vector<1x1x16xi32> to vector<16xi32>
        %max3A_144 = arith.maxui %max3A_133, %get3A_143 : vector<16xi32>
        %and3A_145 = vector.broadcast %scan3A_26 : i32 to vector<16xi32>
        %and3A_146 = arith.andi %get3A_143, %and3A_145 : vector<16xi32>
        %max3A_147 = arith.maxui %max3A_136, %and3A_146 : vector<16xi32>
        %get3A_148 = arith.constant 0 : i32
        %get3A_149 = arith.constant 6 : i32
        %get3A_150 = arith.index_cast %get3A_148 : i32 to index
        %get3A_151 = arith.index_cast %get3A_149 : i32 to index
        %get3A_152 = arith.index_cast %mul3A_86 : i32 to index
        %get3A_153 = tpu.vector_load %arg6[%get3A_150, %get3A_151, %get3A_152] {strides = array<i32>} : memref<2x16x512xi32, #tpu.memory_space<vmem>>, vector<1x1x16xi32>,
        %get3A_154 = vector.shape_cast %get3A_153 : vector<1x1x16xi32> to vector<16xi32>
        %max3A_155 = arith.maxui %max3A_144, %get3A_154 : vector<16xi32>
        %and3A_156 = vector.broadcast %scan3A_26 : i32 to vector<16xi32>
        %and3A_157 = arith.andi %get3A_154, %and3A_156 : vector<16xi32>
        %max3A_158 = arith.maxui %max3A_147, %and3A_157 : vector<16xi32>
        %get3A_159 = arith.constant 0 : i32
        %get3A_160 = arith.constant 7 : i32
        %get3A_161 = arith.index_cast %get3A_159 : i32 to index
        %get3A_162 = arith.index_cast %get3A_160 : i32 to index
        %get3A_163 = arith.index_cast %mul3A_86 : i32 to index
        %get3A_164 = tpu.vector_load %arg6[%get3A_161, %get3A_162, %get3A_163] {strides = array<i32>} : memref<2x16x512xi32, #tpu.memory_space<vmem>>, vector<1x1x16xi32>,
        %get3A_165 = vector.shape_cast %get3A_164 : vector<1x1x16xi32> to vector<16xi32>
        %max3A_166 = arith.maxui %max3A_155, %get3A_165 : vector<16xi32>
        %and3A_167 = vector.broadcast %scan3A_26 : i32 to vector<16xi32>
        %and3A_168 = arith.andi %get3A_165, %and3A_167 : vector<16xi32>
        %max3A_169 = arith.maxui %max3A_158, %and3A_168 : vector<16xi32>
        %get3A_170 = arith.constant 0 : i32
        %get3A_171 = arith.constant 8 : i32
        %get3A_172 = arith.index_cast %get3A_170 : i32 to index
        %get3A_173 = arith.index_cast %get3A_171 : i32 to index
        %get3A_174 = arith.index_cast %mul3A_86 : i32 to index
        %get3A_175 = tpu.vector_load %arg6[%get3A_172, %get3A_173, %get3A_174] {strides = array<i32>} : memref<2x16x512xi32, #tpu.memory_space<vmem>>, vector<1x1x16xi32>,
        %get3A_176 = vector.shape_cast %get3A_175 : vector<1x1x16xi32> to vector<16xi32>
        %max3A_177 = arith.maxui %max3A_166, %get3A_176 : vector<16xi32>
        %and3A_178 = vector.broadcast %scan3A_26 : i32 to vector<16xi32>
        %and3A_179 = arith.andi %get3A_176, %and3A_178 : vector<16xi32>
        %max3A_180 = arith.maxui %max3A_169, %and3A_179 : vector<16xi32>
        %get3A_181 = arith.constant 0 : i32
        %get3A_182 = arith.constant 9 : i32
        %get3A_183 = arith.index_cast %get3A_181 : i32 to index
        %get3A_184 = arith.index_cast %get3A_182 : i32 to index
        %get3A_185 = arith.index_cast %mul3A_86 : i32 to index
        %get3A_186 = tpu.vector_load %arg6[%get3A_183, %get3A_184, %get3A_185] {strides = array<i32>} : memref<2x16x512xi32, #tpu.memory_space<vmem>>, vector<1x1x16xi32>,
        %get3A_187 = vector.shape_cast %get3A_186 : vector<1x1x16xi32> to vector<16xi32>
        %max3A_188 = arith.maxui %max3A_177, %get3A_187 : vector<16xi32>
        %and3A_189 = vector.broadcast %scan3A_26 : i32 to vector<16xi32>
        %and3A_190 = arith.andi %get3A_187, %and3A_189 : vector<16xi32>
        %max3A_191 = arith.maxui %max3A_180, %and3A_190 : vector<16xi32>
        %get3A_192 = arith.constant 0 : i32
        %get3A_193 = arith.constant 10 : i32
        %get3A_194 = arith.index_cast %get3A_192 : i32 to index
        %get3A_195 = arith.index_cast %get3A_193 : i32 to index
        %get3A_196 = arith.index_cast %mul3A_86 : i32 to index
        %get3A_197 = tpu.vector_load %arg6[%get3A_194, %get3A_195, %get3A_196] {strides = array<i32>} : memref<2x16x512xi32, #tpu.memory_space<vmem>>, vector<1x1x16xi32>,
        %get3A_198 = vector.shape_cast %get3A_197 : vector<1x1x16xi32> to vector<16xi32>
        %max3A_199 = arith.maxui %max3A_188, %get3A_198 : vector<16xi32>
        %and3A_200 = vector.broadcast %scan3A_26 : i32 to vector<16xi32>
        %and3A_201 = arith.andi %get3A_198, %and3A_200 : vector<16xi32>
        %max3A_202 = arith.maxui %max3A_191, %and3A_201 : vector<16xi32>
        %get3A_203 = arith.constant 0 : i32
        %get3A_204 = arith.constant 11 : i32
        %get3A_205 = arith.index_cast %get3A_203 : i32 to index
        %get3A_206 = arith.index_cast %get3A_204 : i32 to index
        %get3A_207 = arith.index_cast %mul3A_86 : i32 to index
        %get3A_208 = tpu.vector_load %arg6[%get3A_205, %get3A_206, %get3A_207] {strides = array<i32>} : memref<2x16x512xi32, #tpu.memory_space<vmem>>, vector<1x1x16xi32>,
        %get3A_209 = vector.shape_cast %get3A_208 : vector<1x1x16xi32> to vector<16xi32>
        %max3A_210 = arith.maxui %max3A_199, %get3A_209 : vector<16xi32>
        %and3A_211 = vector.broadcast %scan3A_26 : i32 to vector<16xi32>
        %and3A_212 = arith.andi %get3A_209, %and3A_211 : vector<16xi32>
        %max3A_213 = arith.maxui %max3A_202, %and3A_212 : vector<16xi32>
        %get3A_214 = arith.constant 0 : i32
        %get3A_215 = arith.constant 12 : i32
        %get3A_216 = arith.index_cast %get3A_214 : i32 to index
        %get3A_217 = arith.index_cast %get3A_215 : i32 to index
        %get3A_218 = arith.index_cast %mul3A_86 : i32 to index
        %get3A_219 = tpu.vector_load %arg6[%get3A_216, %get3A_217, %get3A_218] {strides = array<i32>} : memref<2x16x512xi32, #tpu.memory_space<vmem>>, vector<1x1x16xi32>,
        %get3A_220 = vector.shape_cast %get3A_219 : vector<1x1x16xi32> to vector<16xi32>
        %max3A_221 = arith.maxui %max3A_210, %get3A_220 : vector<16xi32>
        %and3A_222 = vector.broadcast %scan3A_26 : i32 to vector<16xi32>
        %and3A_223 = arith.andi %get3A_220, %and3A_222 : vector<16xi32>
        %max3A_224 = arith.maxui %max3A_213, %and3A_223 : vector<16xi32>
        %get3A_225 = arith.constant 0 : i32
        %get3A_226 = arith.constant 13 : i32
        %get3A_227 = arith.index_cast %get3A_225 : i32 to index
        %get3A_228 = arith.index_cast %get3A_226 : i32 to index
        %get3A_229 = arith.index_cast %mul3A_86 : i32 to index
        %get3A_230 = tpu.vector_load %arg6[%get3A_227, %get3A_228, %get3A_229] {strides = array<i32>} : memref<2x16x512xi32, #tpu.memory_space<vmem>>, vector<1x1x16xi32>,
        %get3A_231 = vector.shape_cast %get3A_230 : vector<1x1x16xi32> to vector<16xi32>
        %max3A_232 = arith.maxui %max3A_221, %get3A_231 : vector<16xi32>
        %and3A_233 = vector.broadcast %scan3A_26 : i32 to vector<16xi32>
        %and3A_234 = arith.andi %get3A_231, %and3A_233 : vector<16xi32>
        %max3A_235 = arith.maxui %max3A_224, %and3A_234 : vector<16xi32>
        %get3A_236 = arith.constant 0 : i32
        %get3A_237 = arith.constant 14 : i32
        %get3A_238 = arith.index_cast %get3A_236 : i32 to index
        %get3A_239 = arith.index_cast %get3A_237 : i32 to index
        %get3A_240 = arith.index_cast %mul3A_86 : i32 to index
        %get3A_241 = tpu.vector_load %arg6[%get3A_238, %get3A_239, %get3A_240] {strides = array<i32>} : memref<2x16x512xi32, #tpu.memory_space<vmem>>, vector<1x1x16xi32>,
        %get3A_242 = vector.shape_cast %get3A_241 : vector<1x1x16xi32> to vector<16xi32>
        %max3A_243 = arith.maxui %max3A_232, %get3A_242 : vector<16xi32>
        %and3A_244 = vector.broadcast %scan3A_26 : i32 to vector<16xi32>
        %and3A_245 = arith.andi %get3A_242, %and3A_244 : vector<16xi32>
        %max3A_246 = arith.maxui %max3A_235, %and3A_245 : vector<16xi32>
        %get3A_247 = arith.constant 0 : i32
        %get3A_248 = arith.constant 15 : i32
        %get3A_249 = arith.index_cast %get3A_247 : i32 to index
        %get3A_250 = arith.index_cast %get3A_248 : i32 to index
        %get3A_251 = arith.index_cast %mul3A_86 : i32 to index
        %get3A_252 = tpu.vector_load %arg6[%get3A_249, %get3A_250, %get3A_251] {strides = array<i32>} : memref<2x16x512xi32, #tpu.memory_space<vmem>>, vector<1x1x16xi32>,
        %get3A_253 = vector.shape_cast %get3A_252 : vector<1x1x16xi32> to vector<16xi32>
        %max3A_254 = arith.maxui %max3A_243, %get3A_253 : vector<16xi32>
        %and3A_255 = vector.broadcast %scan3A_26 : i32 to vector<16xi32>
        %and3A_256 = arith.andi %get3A_253, %and3A_255 : vector<16xi32>
        %max3A_257 = arith.maxui %max3A_246, %and3A_256 : vector<16xi32>
        %and3A_258 = vector.broadcast %scan3A_27 : i32 to vector<16xi32>
        %and3A_259 = arith.andi %max3A_254, %and3A_258 : vector<16xi32>
        %or3A = arith.ori %and3A_259, %max3A_257 : vector<16xi32>
        %swap3A = arith.index_cast %add3A_37 : i32 to index
        %swap3A_260 = arith.index_cast %mul3A_86 : i32 to index
        %swap3A_261 = tpu.vector_load %arg7[%swap3A, %swap3A_260] {strides = array<i32>} : memref<64x512xi32, #tpu.memory_space<vmem>>, vector<1x16xi32>,
        %swap3A_262 = vector.shape_cast %swap3A_261 : vector<1x16xi32> to vector<16xi32>
        %swap3A_263 = vector.shape_cast %or3A : vector<16xi32> to vector<1x16xi32>
        tpu.vector_store %arg7[%swap3A, %swap3A_260], %swap3A_263 {strides = array<i32>} : memref<64x512xi32, #tpu.memory_space<vmem>>, vector<1x16xi32>,
        %scan3A_264 = arith.constant 1 : i32
        %scan3A_265 = arith.addi %scan3A_84, %scan3A_264 : i32
        %mul3A_266 = arith.constant 16 : i32
        %mul3A_267 = arith.muli %scan3A_265, %mul3A_266 : i32
        %get3A_268 = arith.constant 0 : i32
        %get3A_269 = arith.constant 0 : i32
        %get3A_270 = arith.index_cast %get3A_268 : i32 to index
        %get3A_271 = arith.index_cast %get3A_269 : i32 to index
        %get3A_272 = arith.index_cast %mul3A_267 : i32 to index
        %get3A_273 = tpu.vector_load %arg6[%get3A_270, %get3A_271, %get3A_272] {strides = array<i32>} : memref<2x16x512xi32, #tpu.memory_space<vmem>>, vector<1x1x16xi32>,
        %get3A_274 = vector.shape_cast %get3A_273 : vector<1x1x16xi32> to vector<16xi32>
        %and3A_275 = vector.broadcast %scan3A_26 : i32 to vector<16xi32>
        %and3A_276 = arith.andi %get3A_274, %and3A_275 : vector<16xi32>
        %get3A_277 = arith.constant 0 : i32
        %get3A_278 = arith.constant 1 : i32
        %get3A_279 = arith.index_cast %get3A_277 : i32 to index
        %get3A_280 = arith.index_cast %get3A_278 : i32 to index
        %get3A_281 = arith.index_cast %mul3A_267 : i32 to index
        %get3A_282 = tpu.vector_load %arg6[%get3A_279, %get3A_280, %get3A_281] {strides = array<i32>} : memref<2x16x512xi32, #tpu.memory_space<vmem>>, vector<1x1x16xi32>,
        %get3A_283 = vector.shape_cast %get3A_282 : vector<1x1x16xi32> to vector<16xi32>
        %max3A_284 = arith.maxui %get3A_274, %get3A_283 : vector<16xi32>
        %and3A_285 = vector.broadcast %scan3A_26 : i32 to vector<16xi32>
        %and3A_286 = arith.andi %get3A_283, %and3A_285 : vector<16xi32>
        %max3A_287 = arith.maxui %and3A_276, %and3A_286 : vector<16xi32>
        %get3A_288 = arith.constant 0 : i32
        %get3A_289 = arith.constant 2 : i32
        %get3A_290 = arith.index_cast %get3A_288 : i32 to index
        %get3A_291 = arith.index_cast %get3A_289 : i32 to index
        %get3A_292 = arith.index_cast %mul3A_267 : i32 to index
        %get3A_293 = tpu.vector_load %arg6[%get3A_290, %get3A_291, %get3A_292] {strides = array<i32>} : memref<2x16x512xi32, #tpu.memory_space<vmem>>, vector<1x1x16xi32>,
        %get3A_294 = vector.shape_cast %get3A_293 : vector<1x1x16xi32> to vector<16xi32>
        %max3A_295 = arith.maxui %max3A_284, %get3A_294 : vector<16xi32>
        %and3A_296 = vector.broadcast %scan3A_26 : i32 to vector<16xi32>
        %and3A_297 = arith.andi %get3A_294, %and3A_296 : vector<16xi32>
        %max3A_298 = arith.maxui %max3A_287, %and3A_297 : vector<16xi32>
        %get3A_299 = arith.constant 0 : i32
        %get3A_300 = arith.constant 3 : i32
        %get3A_301 = arith.index_cast %get3A_299 : i32 to index
        %get3A_302 = arith.index_cast %get3A_300 : i32 to index
        %get3A_303 = arith.index_cast %mul3A_267 : i32 to index
        %get3A_304 = tpu.vector_load %arg6[%get3A_301, %get3A_302, %get3A_303] {strides = array<i32>} : memref<2x16x512xi32, #tpu.memory_space<vmem>>, vector<1x1x16xi32>,
        %get3A_305 = vector.shape_cast %get3A_304 : vector<1x1x16xi32> to vector<16xi32>
        %max3A_306 = arith.maxui %max3A_295, %get3A_305 : vector<16xi32>
        %and3A_307 = vector.broadcast %scan3A_26 : i32 to vector<16xi32>
        %and3A_308 = arith.andi %get3A_305, %and3A_307 : vector<16xi32>
        %max3A_309 = arith.maxui %max3A_298, %and3A_308 : vector<16xi32>
        %get3A_310 = arith.constant 0 : i32
        %get3A_311 = arith.constant 4 : i32
        %get3A_312 = arith.index_cast %get3A_310 : i32 to index
        %get3A_313 = arith.index_cast %get3A_311 : i32 to index
        %get3A_314 = arith.index_cast %mul3A_267 : i32 to index
        %get3A_315 = tpu.vector_load %arg6[%get3A_312, %get3A_313, %get3A_314] {strides = array<i32>} : memref<2x16x512xi32, #tpu.memory_space<vmem>>, vector<1x1x16xi32>,
        %get3A_316 = vector.shape_cast %get3A_315 : vector<1x1x16xi32> to vector<16xi32>
        %max3A_317 = arith.maxui %max3A_306, %get3A_316 : vector<16xi32>
        %and3A_318 = vector.broadcast %scan3A_26 : i32 to vector<16xi32>
        %and3A_319 = arith.andi %get3A_316, %and3A_318 : vector<16xi32>
        %max3A_320 = arith.maxui %max3A_309, %and3A_319 : vector<16xi32>
        %get3A_321 = arith.constant 0 : i32
        %get3A_322 = arith.constant 5 : i32
        %get3A_323 = arith.index_cast %get3A_321 : i32 to index
        %get3A_324 = arith.index_cast %get3A_322 : i32 to index
        %get3A_325 = arith.index_cast %mul3A_267 : i32 to index
        %get3A_326 = tpu.vector_load %arg6[%get3A_323, %get3A_324, %get3A_325] {strides = array<i32>} : memref<2x16x512xi32, #tpu.memory_space<vmem>>, vector<1x1x16xi32>,
        %get3A_327 = vector.shape_cast %get3A_326 : vector<1x1x16xi32> to vector<16xi32>
        %max3A_328 = arith.maxui %max3A_317, %get3A_327 : vector<16xi32>
        %and3A_329 = vector.broadcast %scan3A_26 : i32 to vector<16xi32>
        %and3A_330 = arith.andi %get3A_327, %and3A_329 : vector<16xi32>
        %max3A_331 = arith.maxui %max3A_320, %and3A_330 : vector<16xi32>
        %get3A_332 = arith.constant 0 : i32
        %get3A_333 = arith.constant 6 : i32
        %get3A_334 = arith.index_cast %get3A_332 : i32 to index
        %get3A_335 = arith.index_cast %get3A_333 : i32 to index
        %get3A_336 = arith.index_cast %mul3A_267 : i32 to index
        %get3A_337 = tpu.vector_load %arg6[%get3A_334, %get3A_335, %get3A_336] {strides = array<i32>} : memref<2x16x512xi32, #tpu.memory_space<vmem>>, vector<1x1x16xi32>,
        %get3A_338 = vector.shape_cast %get3A_337 : vector<1x1x16xi32> to vector<16xi32>
        %max3A_339 = arith.maxui %max3A_328, %get3A_338 : vector<16xi32>
        %and3A_340 = vector.broadcast %scan3A_26 : i32 to vector<16xi32>
        %and3A_341 = arith.andi %get3A_338, %and3A_340 : vector<16xi32>
        %max3A_342 = arith.maxui %max3A_331, %and3A_341 : vector<16xi32>
        %get3A_343 = arith.constant 0 : i32
        %get3A_344 = arith.constant 7 : i32
        %get3A_345 = arith.index_cast %get3A_343 : i32 to index
        %get3A_346 = arith.index_cast %get3A_344 : i32 to index
        %get3A_347 = arith.index_cast %mul3A_267 : i32 to index
        %get3A_348 = tpu.vector_load %arg6[%get3A_345, %get3A_346, %get3A_347] {strides = array<i32>} : memref<2x16x512xi32, #tpu.memory_space<vmem>>, vector<1x1x16xi32>,
        %get3A_349 = vector.shape_cast %get3A_348 : vector<1x1x16xi32> to vector<16xi32>
        %max3A_350 = arith.maxui %max3A_339, %get3A_349 : vector<16xi32>
        %and3A_351 = vector.broadcast %scan3A_26 : i32 to vector<16xi32>
        %and3A_352 = arith.andi %get3A_349, %and3A_351 : vector<16xi32>
        %max3A_353 = arith.maxui %max3A_342, %and3A_352 : vector<16xi32>
        %get3A_354 = arith.constant 0 : i32
        %get3A_355 = arith.constant 8 : i32
        %get3A_356 = arith.index_cast %get3A_354 : i32 to index
        %get3A_357 = arith.index_cast %get3A_355 : i32 to index
        %get3A_358 = arith.index_cast %mul3A_267 : i32 to index
        %get3A_359 = tpu.vector_load %arg6[%get3A_356, %get3A_357, %get3A_358] {strides = array<i32>} : memref<2x16x512xi32, #tpu.memory_space<vmem>>, vector<1x1x16xi32>,
        %get3A_360 = vector.shape_cast %get3A_359 : vector<1x1x16xi32> to vector<16xi32>
        %max3A_361 = arith.maxui %max3A_350, %get3A_360 : vector<16xi32>
        %and3A_362 = vector.broadcast %scan3A_26 : i32 to vector<16xi32>
        %and3A_363 = arith.andi %get3A_360, %and3A_362 : vector<16xi32>
        %max3A_364 = arith.maxui %max3A_353, %and3A_363 : vector<16xi32>
        %get3A_365 = arith.constant 0 : i32
        %get3A_366 = arith.constant 9 : i32
        %get3A_367 = arith.index_cast %get3A_365 : i32 to index
        %get3A_368 = arith.index_cast %get3A_366 : i32 to index
        %get3A_369 = arith.index_cast %mul3A_267 : i32 to index
        %get3A_370 = tpu.vector_load %arg6[%get3A_367, %get3A_368, %get3A_369] {strides = array<i32>} : memref<2x16x512xi32, #tpu.memory_space<vmem>>, vector<1x1x16xi32>,
        %get3A_371 = vector.shape_cast %get3A_370 : vector<1x1x16xi32> to vector<16xi32>
        %max3A_372 = arith.maxui %max3A_361, %get3A_371 : vector<16xi32>
        %and3A_373 = vector.broadcast %scan3A_26 : i32 to vector<16xi32>
        %and3A_374 = arith.andi %get3A_371, %and3A_373 : vector<16xi32>
        %max3A_375 = arith.maxui %max3A_364, %and3A_374 : vector<16xi32>
        %get3A_376 = arith.constant 0 : i32
        %get3A_377 = arith.constant 10 : i32
        %get3A_378 = arith.index_cast %get3A_376 : i32 to index
        %get3A_379 = arith.index_cast %get3A_377 : i32 to index
        %get3A_380 = arith.index_cast %mul3A_267 : i32 to index
        %get3A_381 = tpu.vector_load %arg6[%get3A_378, %get3A_379, %get3A_380] {strides = array<i32>} : memref<2x16x512xi32, #tpu.memory_space<vmem>>, vector<1x1x16xi32>,
        %get3A_382 = vector.shape_cast %get3A_381 : vector<1x1x16xi32> to vector<16xi32>
        %max3A_383 = arith.maxui %max3A_372, %get3A_382 : vector<16xi32>
        %and3A_384 = vector.broadcast %scan3A_26 : i32 to vector<16xi32>
        %and3A_385 = arith.andi %get3A_382, %and3A_384 : vector<16xi32>
        %max3A_386 = arith.maxui %max3A_375, %and3A_385 : vector<16xi32>
        %get3A_387 = arith.constant 0 : i32
        %get3A_388 = arith.constant 11 : i32
        %get3A_389 = arith.index_cast %get3A_387 : i32 to index
        %get3A_390 = arith.index_cast %get3A_388 : i32 to index
        %get3A_391 = arith.index_cast %mul3A_267 : i32 to index
        %get3A_392 = tpu.vector_load %arg6[%get3A_389, %get3A_390, %get3A_391] {strides = array<i32>} : memref<2x16x512xi32, #tpu.memory_space<vmem>>, vector<1x1x16xi32>,
        %get3A_393 = vector.shape_cast %get3A_392 : vector<1x1x16xi32> to vector<16xi32>
        %max3A_394 = arith.maxui %max3A_383, %get3A_393 : vector<16xi32>
        %and3A_395 = vector.broadcast %scan3A_26 : i32 to vector<16xi32>
        %and3A_396 = arith.andi %get3A_393, %and3A_395 : vector<16xi32>
        %max3A_397 = arith.maxui %max3A_386, %and3A_396 : vector<16xi32>
        %get3A_398 = arith.constant 0 : i32
        %get3A_399 = arith.constant 12 : i32
        %get3A_400 = arith.index_cast %get3A_398 : i32 to index
        %get3A_401 = arith.index_cast %get3A_399 : i32 to index
        %get3A_402 = arith.index_cast %mul3A_267 : i32 to index
        %get3A_403 = tpu.vector_load %arg6[%get3A_400, %get3A_401, %get3A_402] {strides = array<i32>} : memref<2x16x512xi32, #tpu.memory_space<vmem>>, vector<1x1x16xi32>,
        %get3A_404 = vector.shape_cast %get3A_403 : vector<1x1x16xi32> to vector<16xi32>
        %max3A_405 = arith.maxui %max3A_394, %get3A_404 : vector<16xi32>
        %and3A_406 = vector.broadcast %scan3A_26 : i32 to vector<16xi32>
        %and3A_407 = arith.andi %get3A_404, %and3A_406 : vector<16xi32>
        %max3A_408 = arith.maxui %max3A_397, %and3A_407 : vector<16xi32>
        %get3A_409 = arith.constant 0 : i32
        %get3A_410 = arith.constant 13 : i32
        %get3A_411 = arith.index_cast %get3A_409 : i32 to index
        %get3A_412 = arith.index_cast %get3A_410 : i32 to index
        %get3A_413 = arith.index_cast %mul3A_267 : i32 to index
        %get3A_414 = tpu.vector_load %arg6[%get3A_411, %get3A_412, %get3A_413] {strides = array<i32>} : memref<2x16x512xi32, #tpu.memory_space<vmem>>, vector<1x1x16xi32>,
        %get3A_415 = vector.shape_cast %get3A_414 : vector<1x1x16xi32> to vector<16xi32>
        %max3A_416 = arith.maxui %max3A_405, %get3A_415 : vector<16xi32>
        %and3A_417 = vector.broadcast %scan3A_26 : i32 to vector<16xi32>
        %and3A_418 = arith.andi %get3A_415, %and3A_417 : vector<16xi32>
        %max3A_419 = arith.maxui %max3A_408, %and3A_418 : vector<16xi32>
        %get3A_420 = arith.constant 0 : i32
        %get3A_421 = arith.constant 14 : i32
        %get3A_422 = arith.index_cast %get3A_420 : i32 to index
        %get3A_423 = arith.index_cast %get3A_421 : i32 to index
        %get3A_424 = arith.index_cast %mul3A_267 : i32 to index
        %get3A_425 = tpu.vector_load %arg6[%get3A_422, %get3A_423, %get3A_424] {strides = array<i32>} : memref<2x16x512xi32, #tpu.memory_space<vmem>>, vector<1x1x16xi32>,
        %get3A_426 = vector.shape_cast %get3A_425 : vector<1x1x16xi32> to vector<16xi32>
        %max3A_427 = arith.maxui %max3A_416, %get3A_426 : vector<16xi32>
        %and3A_428 = vector.broadcast %scan3A_26 : i32 to vector<16xi32>
        %and3A_429 = arith.andi %get3A_426, %and3A_428 : vector<16xi32>
        %max3A_430 = arith.maxui %max3A_419, %and3A_429 : vector<16xi32>
        %get3A_431 = arith.constant 0 : i32
        %get3A_432 = arith.constant 15 : i32
        %get3A_433 = arith.index_cast %get3A_431 : i32 to index
        %get3A_434 = arith.index_cast %get3A_432 : i32 to index
        %get3A_435 = arith.index_cast %mul3A_267 : i32 to index
        %get3A_436 = tpu.vector_load %arg6[%get3A_433, %get3A_434, %get3A_435] {strides = array<i32>} : memref<2x16x512xi32, #tpu.memory_space<vmem>>, vector<1x1x16xi32>,
        %get3A_437 = vector.shape_cast %get3A_436 : vector<1x1x16xi32> to vector<16xi32>
        %max3A_438 = arith.maxui %max3A_427, %get3A_437 : vector<16xi32>
        %and3A_439 = vector.broadcast %scan3A_26 : i32 to vector<16xi32>
        %and3A_440 = arith.andi %get3A_437, %and3A_439 : vector<16xi32>
        %max3A_441 = arith.maxui %max3A_430, %and3A_440 : vector<16xi32>
        %and3A_442 = vector.broadcast %scan3A_27 : i32 to vector<16xi32>
        %and3A_443 = arith.andi %max3A_438, %and3A_442 : vector<16xi32>
        %or3A_444 = arith.ori %and3A_443, %max3A_441 : vector<16xi32>
        %swap3A_445 = arith.index_cast %add3A_37 : i32 to index
        %swap3A_446 = arith.index_cast %mul3A_267 : i32 to index
        %swap3A_447 = tpu.vector_load %arg7[%swap3A_445, %swap3A_446] {strides = array<i32>} : memref<64x512xi32, #tpu.memory_space<vmem>>, vector<1x16xi32>,
        %swap3A_448 = vector.shape_cast %swap3A_447 : vector<1x16xi32> to vector<16xi32>
        %swap3A_449 = vector.shape_cast %or3A_444 : vector<16xi32> to vector<1x16xi32>
        tpu.vector_store %arg7[%swap3A_445, %swap3A_446], %swap3A_449 {strides = array<i32>} : memref<64x512xi32, #tpu.memory_space<vmem>>, vector<1x16xi32>,
      }
      %scan3A_53 = arith.constant 32 : i32
      %add3A_54 = arith.constant 2 : i32
      %add3A_55 = arith.addi %add3A_37, %add3A_54 : i32
      %lt3A = arith.constant 64 : i32
      %lt3A_56 = arith.cmpi slt, %add3A_55, %lt3A : i32
      %convert_element_type3A = arith.extui %lt3A_56 : i1 to i32
      %cond3A = arith.constant 0 : i32
      %cond3A_57 = arith.cmpi ne, %convert_element_type3A, %cond3A : i32
      scf.if %cond3A_57 {
        %add3A_84 = arith.constant 2 : i32
        %add3A_85 = arith.addi %add3A_37, %add3A_84 : i32
        %dma_start3A_86 = arith.constant 0 : i32
        %dma_start3A_87 = arith.constant 0 : i32
        %dma_start3A_88 = arith.constant 0 : i32
        %dma_start3A_89 = tpu.memref_slice %arg6[%dma_start3A_86, %dma_start3A_87, %dma_start3A_88] : memref<2x16x512xi32, #tpu.memory_space<vmem>> -> memref<1x16x512xi32, #tpu.memory_space<vmem>>
        %dma_start3A_90 = tpu.memref_squeeze %dma_start3A_89 : memref<1x16x512xi32, #tpu.memory_space<vmem>> -> memref<16x512xi32, #tpu.memory_space<vmem>>
        %dma_start3A_91 = arith.constant 0 : i32
        %dma_start3A_92 = tpu.memref_slice %arg5[%add3A_85, %dma_start3A_91] : memref<64x16xi32, #tpu.memory_space<vmem>> -> memref<1x16xi32, #tpu.memory_space<vmem>>
        %dma_start3A_93 = tpu.memref_squeeze %dma_start3A_92 : memref<1x16xi32, #tpu.memory_space<vmem>> -> memref<16xi32, #tpu.memory_space<vmem>>
        %dma_start3A_94 = arith.constant 0 : i32
        %dma_start3A_95 = arith.constant 0 : i32
        %dma_start3A_96 = tpu.memref_slice %arg2[%dma_start3A_94, %dma_start3A_95] : memref<8192x512xi32, #tpu.memory_space<hbm>> -> memref<8192x512xi32, #tpu.memory_space<hbm>>
        tpu.enqueue_indirect_dma source(%dma_start3A_96 : memref<8192x512xi32, #tpu.memory_space<hbm>>) target(%dma_start3A_90 : memref<16x512xi32, #tpu.memory_space<vmem>>) offsets(%dma_start3A_93 : memref<16xi32, #tpu.memory_space<vmem>>) semaphore(%arg8 : memref<!tpu.dma_semaphore, #tpu.memory_space<semaphore_mem>>)
      } else {
      }
      %add3A_58 = arith.constant 1 : i32
      %add3A_59 = arith.addi %mul3A_35, %add3A_58 : i32
      %dma_wait3A_60 = arith.constant 1 : i32
      %dma_wait3A_61 = arith.constant 0 : i32
      %dma_wait3A_62 = arith.constant 0 : i32
      %dma_wait3A_63 = tpu.memref_slice %arg6[%dma_wait3A_60, %dma_wait3A_61, %dma_wait3A_62] : memref<2x16x512xi32, #tpu.memory_space<vmem>> -> memref<1x16x512xi32, #tpu.memory_space<vmem>>
      %dma_wait3A_64 = tpu.memref_squeeze %dma_wait3A_63 : memref<1x16x512xi32, #tpu.memory_space<vmem>> -> memref<16x512xi32, #tpu.memory_space<vmem>>
      %dma_wait3A_65 = arith.constant 0 : i32
      %dma_wait3A_66 = tpu.memref_slice %arg5[%add3A_59, %dma_wait3A_65] : memref<64x16xi32, #tpu.memory_space<vmem>> -> memref<1x16xi32, #tpu.memory_space<vmem>>
      %dma_wait3A_67 = tpu.memref_squeeze %dma_wait3A_66 : memref<1x16xi32, #tpu.memory_space<vmem>> -> memref<16xi32, #tpu.memory_space<vmem>>
      %dma_wait3A_68 = arith.constant 0 : i32
      %dma_wait3A_69 = arith.constant 0 : i32
      %dma_wait3A_70 = tpu.memref_slice %arg2[%dma_wait3A_68, %dma_wait3A_69] : memref<8192x512xi32, #tpu.memory_space<hbm>> -> memref<8192x512xi32, #tpu.memory_space<hbm>>
      tpu.wait_indirect_dma semaphore(%arg9 : memref<!tpu.dma_semaphore, #tpu.memory_space<semaphore_mem>>) src(%dma_wait3A_70 : memref<8192x512xi32, #tpu.memory_space<hbm>>) dst(%dma_wait3A_64 : memref<16x512xi32, #tpu.memory_space<vmem>>)
      %scan3A_71 = arith.constant 0 : i32
      %scan3A_72 = arith.constant 0 : i32
      %scan3A_73 = arith.constant 32 : i32
      %scan3A_74 = arith.addi %scan3A_72, %scan3A_73 : i32
      %scan3A_75 = arith.constant 2 : i32
      scf.for %scan3A_84 = %scan3A_72 to %scan3A_74 step %scan3A_75  : i32 {
        %mul3A_85 = arith.constant 16 : i32
        %mul3A_86 = arith.muli %scan3A_84, %mul3A_85 : i32
        %get3A = arith.constant 1 : i32
        %get3A_87 = arith.constant 0 : i32
        %get3A_88 = arith.index_cast %get3A : i32 to index
        %get3A_89 = arith.index_cast %get3A_87 : i32 to index
        %get3A_90 = arith.index_cast %mul3A_86 : i32 to index
        %get3A_91 = tpu.vector_load %arg6[%get3A_88, %get3A_89, %get3A_90] {strides = array<i32>} : memref<2x16x512xi32, #tpu.memory_space<vmem>>, vector<1x1x16xi32>,
        %get3A_92 = vector.shape_cast %get3A_91 : vector<1x1x16xi32> to vector<16xi32>
        %and3A = vector.broadcast %scan3A_26 : i32 to vector<16xi32>
        %and3A_93 = arith.andi %get3A_92, %and3A : vector<16xi32>
        %get3A_94 = arith.constant 1 : i32
        %get3A_95 = arith.constant 1 : i32
        %get3A_96 = arith.index_cast %get3A_94 : i32 to index
        %get3A_97 = arith.index_cast %get3A_95 : i32 to index
        %get3A_98 = arith.index_cast %mul3A_86 : i32 to index
        %get3A_99 = tpu.vector_load %arg6[%get3A_96, %get3A_97, %get3A_98] {strides = array<i32>} : memref<2x16x512xi32, #tpu.memory_space<vmem>>, vector<1x1x16xi32>,
        %get3A_100 = vector.shape_cast %get3A_99 : vector<1x1x16xi32> to vector<16xi32>
        %max3A = arith.maxui %get3A_92, %get3A_100 : vector<16xi32>
        %and3A_101 = vector.broadcast %scan3A_26 : i32 to vector<16xi32>
        %and3A_102 = arith.andi %get3A_100, %and3A_101 : vector<16xi32>
        %max3A_103 = arith.maxui %and3A_93, %and3A_102 : vector<16xi32>
        %get3A_104 = arith.constant 1 : i32
        %get3A_105 = arith.constant 2 : i32
        %get3A_106 = arith.index_cast %get3A_104 : i32 to index
        %get3A_107 = arith.index_cast %get3A_105 : i32 to index
        %get3A_108 = arith.index_cast %mul3A_86 : i32 to index
        %get3A_109 = tpu.vector_load %arg6[%get3A_106, %get3A_107, %get3A_108] {strides = array<i32>} : memref<2x16x512xi32, #tpu.memory_space<vmem>>, vector<1x1x16xi32>,
        %get3A_110 = vector.shape_cast %get3A_109 : vector<1x1x16xi32> to vector<16xi32>
        %max3A_111 = arith.maxui %max3A, %get3A_110 : vector<16xi32>
        %and3A_112 = vector.broadcast %scan3A_26 : i32 to vector<16xi32>
        %and3A_113 = arith.andi %get3A_110, %and3A_112 : vector<16xi32>
        %max3A_114 = arith.maxui %max3A_103, %and3A_113 : vector<16xi32>
        %get3A_115 = arith.constant 1 : i32
        %get3A_116 = arith.constant 3 : i32
        %get3A_117 = arith.index_cast %get3A_115 : i32 to index
        %get3A_118 = arith.index_cast %get3A_116 : i32 to index
        %get3A_119 = arith.index_cast %mul3A_86 : i32 to index
        %get3A_120 = tpu.vector_load %arg6[%get3A_117, %get3A_118, %get3A_119] {strides = array<i32>} : memref<2x16x512xi32, #tpu.memory_space<vmem>>, vector<1x1x16xi32>,
        %get3A_121 = vector.shape_cast %get3A_120 : vector<1x1x16xi32> to vector<16xi32>
        %max3A_122 = arith.maxui %max3A_111, %get3A_121 : vector<16xi32>
        %and3A_123 = vector.broadcast %scan3A_26 : i32 to vector<16xi32>
        %and3A_124 = arith.andi %get3A_121, %and3A_123 : vector<16xi32>
        %max3A_125 = arith.maxui %max3A_114, %and3A_124 : vector<16xi32>
        %get3A_126 = arith.constant 1 : i32
        %get3A_127 = arith.constant 4 : i32
        %get3A_128 = arith.index_cast %get3A_126 : i32 to index
        %get3A_129 = arith.index_cast %get3A_127 : i32 to index
        %get3A_130 = arith.index_cast %mul3A_86 : i32 to index
        %get3A_131 = tpu.vector_load %arg6[%get3A_128, %get3A_129, %get3A_130] {strides = array<i32>} : memref<2x16x512xi32, #tpu.memory_space<vmem>>, vector<1x1x16xi32>,
        %get3A_132 = vector.shape_cast %get3A_131 : vector<1x1x16xi32> to vector<16xi32>
        %max3A_133 = arith.maxui %max3A_122, %get3A_132 : vector<16xi32>
        %and3A_134 = vector.broadcast %scan3A_26 : i32 to vector<16xi32>
        %and3A_135 = arith.andi %get3A_132, %and3A_134 : vector<16xi32>
        %max3A_136 = arith.maxui %max3A_125, %and3A_135 : vector<16xi32>
        %get3A_137 = arith.constant 1 : i32
        %get3A_138 = arith.constant 5 : i32
        %get3A_139 = arith.index_cast %get3A_137 : i32 to index
        %get3A_140 = arith.index_cast %get3A_138 : i32 to index
        %get3A_141 = arith.index_cast %mul3A_86 : i32 to index
        %get3A_142 = tpu.vector_load %arg6[%get3A_139, %get3A_140, %get3A_141] {strides = array<i32>} : memref<2x16x512xi32, #tpu.memory_space<vmem>>, vector<1x1x16xi32>,
        %get3A_143 = vector.shape_cast %get3A_142 : vector<1x1x16xi32> to vector<16xi32>
        %max3A_144 = arith.maxui %max3A_133, %get3A_143 : vector<16xi32>
        %and3A_145 = vector.broadcast %scan3A_26 : i32 to vector<16xi32>
        %and3A_146 = arith.andi %get3A_143, %and3A_145 : vector<16xi32>
        %max3A_147 = arith.maxui %max3A_136, %and3A_146 : vector<16xi32>
        %get3A_148 = arith.constant 1 : i32
        %get3A_149 = arith.constant 6 : i32
        %get3A_150 = arith.index_cast %get3A_148 : i32 to index
        %get3A_151 = arith.index_cast %get3A_149 : i32 to index
        %get3A_152 = arith.index_cast %mul3A_86 : i32 to index
        %get3A_153 = tpu.vector_load %arg6[%get3A_150, %get3A_151, %get3A_152] {strides = array<i32>} : memref<2x16x512xi32, #tpu.memory_space<vmem>>, vector<1x1x16xi32>,
        %get3A_154 = vector.shape_cast %get3A_153 : vector<1x1x16xi32> to vector<16xi32>
        %max3A_155 = arith.maxui %max3A_144, %get3A_154 : vector<16xi32>
        %and3A_156 = vector.broadcast %scan3A_26 : i32 to vector<16xi32>
        %and3A_157 = arith.andi %get3A_154, %and3A_156 : vector<16xi32>
        %max3A_158 = arith.maxui %max3A_147, %and3A_157 : vector<16xi32>
        %get3A_159 = arith.constant 1 : i32
        %get3A_160 = arith.constant 7 : i32
        %get3A_161 = arith.index_cast %get3A_159 : i32 to index
        %get3A_162 = arith.index_cast %get3A_160 : i32 to index
        %get3A_163 = arith.index_cast %mul3A_86 : i32 to index
        %get3A_164 = tpu.vector_load %arg6[%get3A_161, %get3A_162, %get3A_163] {strides = array<i32>} : memref<2x16x512xi32, #tpu.memory_space<vmem>>, vector<1x1x16xi32>,
        %get3A_165 = vector.shape_cast %get3A_164 : vector<1x1x16xi32> to vector<16xi32>
        %max3A_166 = arith.maxui %max3A_155, %get3A_165 : vector<16xi32>
        %and3A_167 = vector.broadcast %scan3A_26 : i32 to vector<16xi32>
        %and3A_168 = arith.andi %get3A_165, %and3A_167 : vector<16xi32>
        %max3A_169 = arith.maxui %max3A_158, %and3A_168 : vector<16xi32>
        %get3A_170 = arith.constant 1 : i32
        %get3A_171 = arith.constant 8 : i32
        %get3A_172 = arith.index_cast %get3A_170 : i32 to index
        %get3A_173 = arith.index_cast %get3A_171 : i32 to index
        %get3A_174 = arith.index_cast %mul3A_86 : i32 to index
        %get3A_175 = tpu.vector_load %arg6[%get3A_172, %get3A_173, %get3A_174] {strides = array<i32>} : memref<2x16x512xi32, #tpu.memory_space<vmem>>, vector<1x1x16xi32>,
        %get3A_176 = vector.shape_cast %get3A_175 : vector<1x1x16xi32> to vector<16xi32>
        %max3A_177 = arith.maxui %max3A_166, %get3A_176 : vector<16xi32>
        %and3A_178 = vector.broadcast %scan3A_26 : i32 to vector<16xi32>
        %and3A_179 = arith.andi %get3A_176, %and3A_178 : vector<16xi32>
        %max3A_180 = arith.maxui %max3A_169, %and3A_179 : vector<16xi32>
        %get3A_181 = arith.constant 1 : i32
        %get3A_182 = arith.constant 9 : i32
        %get3A_183 = arith.index_cast %get3A_181 : i32 to index
        %get3A_184 = arith.index_cast %get3A_182 : i32 to index
        %get3A_185 = arith.index_cast %mul3A_86 : i32 to index
        %get3A_186 = tpu.vector_load %arg6[%get3A_183, %get3A_184, %get3A_185] {strides = array<i32>} : memref<2x16x512xi32, #tpu.memory_space<vmem>>, vector<1x1x16xi32>,
        %get3A_187 = vector.shape_cast %get3A_186 : vector<1x1x16xi32> to vector<16xi32>
        %max3A_188 = arith.maxui %max3A_177, %get3A_187 : vector<16xi32>
        %and3A_189 = vector.broadcast %scan3A_26 : i32 to vector<16xi32>
        %and3A_190 = arith.andi %get3A_187, %and3A_189 : vector<16xi32>
        %max3A_191 = arith.maxui %max3A_180, %and3A_190 : vector<16xi32>
        %get3A_192 = arith.constant 1 : i32
        %get3A_193 = arith.constant 10 : i32
        %get3A_194 = arith.index_cast %get3A_192 : i32 to index
        %get3A_195 = arith.index_cast %get3A_193 : i32 to index
        %get3A_196 = arith.index_cast %mul3A_86 : i32 to index
        %get3A_197 = tpu.vector_load %arg6[%get3A_194, %get3A_195, %get3A_196] {strides = array<i32>} : memref<2x16x512xi32, #tpu.memory_space<vmem>>, vector<1x1x16xi32>,
        %get3A_198 = vector.shape_cast %get3A_197 : vector<1x1x16xi32> to vector<16xi32>
        %max3A_199 = arith.maxui %max3A_188, %get3A_198 : vector<16xi32>
        %and3A_200 = vector.broadcast %scan3A_26 : i32 to vector<16xi32>
        %and3A_201 = arith.andi %get3A_198, %and3A_200 : vector<16xi32>
        %max3A_202 = arith.maxui %max3A_191, %and3A_201 : vector<16xi32>
        %get3A_203 = arith.constant 1 : i32
        %get3A_204 = arith.constant 11 : i32
        %get3A_205 = arith.index_cast %get3A_203 : i32 to index
        %get3A_206 = arith.index_cast %get3A_204 : i32 to index
        %get3A_207 = arith.index_cast %mul3A_86 : i32 to index
        %get3A_208 = tpu.vector_load %arg6[%get3A_205, %get3A_206, %get3A_207] {strides = array<i32>} : memref<2x16x512xi32, #tpu.memory_space<vmem>>, vector<1x1x16xi32>,
        %get3A_209 = vector.shape_cast %get3A_208 : vector<1x1x16xi32> to vector<16xi32>
        %max3A_210 = arith.maxui %max3A_199, %get3A_209 : vector<16xi32>
        %and3A_211 = vector.broadcast %scan3A_26 : i32 to vector<16xi32>
        %and3A_212 = arith.andi %get3A_209, %and3A_211 : vector<16xi32>
        %max3A_213 = arith.maxui %max3A_202, %and3A_212 : vector<16xi32>
        %get3A_214 = arith.constant 1 : i32
        %get3A_215 = arith.constant 12 : i32
        %get3A_216 = arith.index_cast %get3A_214 : i32 to index
        %get3A_217 = arith.index_cast %get3A_215 : i32 to index
        %get3A_218 = arith.index_cast %mul3A_86 : i32 to index
        %get3A_219 = tpu.vector_load %arg6[%get3A_216, %get3A_217, %get3A_218] {strides = array<i32>} : memref<2x16x512xi32, #tpu.memory_space<vmem>>, vector<1x1x16xi32>,
        %get3A_220 = vector.shape_cast %get3A_219 : vector<1x1x16xi32> to vector<16xi32>
        %max3A_221 = arith.maxui %max3A_210, %get3A_220 : vector<16xi32>
        %and3A_222 = vector.broadcast %scan3A_26 : i32 to vector<16xi32>
        %and3A_223 = arith.andi %get3A_220, %and3A_222 : vector<16xi32>
        %max3A_224 = arith.maxui %max3A_213, %and3A_223 : vector<16xi32>
        %get3A_225 = arith.constant 1 : i32
        %get3A_226 = arith.constant 13 : i32
        %get3A_227 = arith.index_cast %get3A_225 : i32 to index
        %get3A_228 = arith.index_cast %get3A_226 : i32 to index
        %get3A_229 = arith.index_cast %mul3A_86 : i32 to index
        %get3A_230 = tpu.vector_load %arg6[%get3A_227, %get3A_228, %get3A_229] {strides = array<i32>} : memref<2x16x512xi32, #tpu.memory_space<vmem>>, vector<1x1x16xi32>,
        %get3A_231 = vector.shape_cast %get3A_230 : vector<1x1x16xi32> to vector<16xi32>
        %max3A_232 = arith.maxui %max3A_221, %get3A_231 : vector<16xi32>
        %and3A_233 = vector.broadcast %scan3A_26 : i32 to vector<16xi32>
        %and3A_234 = arith.andi %get3A_231, %and3A_233 : vector<16xi32>
        %max3A_235 = arith.maxui %max3A_224, %and3A_234 : vector<16xi32>
        %get3A_236 = arith.constant 1 : i32
        %get3A_237 = arith.constant 14 : i32
        %get3A_238 = arith.index_cast %get3A_236 : i32 to index
        %get3A_239 = arith.index_cast %get3A_237 : i32 to index
        %get3A_240 = arith.index_cast %mul3A_86 : i32 to index
        %get3A_241 = tpu.vector_load %arg6[%get3A_238, %get3A_239, %get3A_240] {strides = array<i32>} : memref<2x16x512xi32, #tpu.memory_space<vmem>>, vector<1x1x16xi32>,
        %get3A_242 = vector.shape_cast %get3A_241 : vector<1x1x16xi32> to vector<16xi32>
        %max3A_243 = arith.maxui %max3A_232, %get3A_242 : vector<16xi32>
        %and3A_244 = vector.broadcast %scan3A_26 : i32 to vector<16xi32>
        %and3A_245 = arith.andi %get3A_242, %and3A_244 : vector<16xi32>
        %max3A_246 = arith.maxui %max3A_235, %and3A_245 : vector<16xi32>
        %get3A_247 = arith.constant 1 : i32
        %get3A_248 = arith.constant 15 : i32
        %get3A_249 = arith.index_cast %get3A_247 : i32 to index
        %get3A_250 = arith.index_cast %get3A_248 : i32 to index
        %get3A_251 = arith.index_cast %mul3A_86 : i32 to index
        %get3A_252 = tpu.vector_load %arg6[%get3A_249, %get3A_250, %get3A_251] {strides = array<i32>} : memref<2x16x512xi32, #tpu.memory_space<vmem>>, vector<1x1x16xi32>,
        %get3A_253 = vector.shape_cast %get3A_252 : vector<1x1x16xi32> to vector<16xi32>
        %max3A_254 = arith.maxui %max3A_243, %get3A_253 : vector<16xi32>
        %and3A_255 = vector.broadcast %scan3A_26 : i32 to vector<16xi32>
        %and3A_256 = arith.andi %get3A_253, %and3A_255 : vector<16xi32>
        %max3A_257 = arith.maxui %max3A_246, %and3A_256 : vector<16xi32>
        %and3A_258 = vector.broadcast %scan3A_27 : i32 to vector<16xi32>
        %and3A_259 = arith.andi %max3A_254, %and3A_258 : vector<16xi32>
        %or3A = arith.ori %and3A_259, %max3A_257 : vector<16xi32>
        %swap3A = arith.index_cast %add3A_59 : i32 to index
        %swap3A_260 = arith.index_cast %mul3A_86 : i32 to index
        %swap3A_261 = tpu.vector_load %arg7[%swap3A, %swap3A_260] {strides = array<i32>} : memref<64x512xi32, #tpu.memory_space<vmem>>, vector<1x16xi32>,
        %swap3A_262 = vector.shape_cast %swap3A_261 : vector<1x16xi32> to vector<16xi32>
        %swap3A_263 = vector.shape_cast %or3A : vector<16xi32> to vector<1x16xi32>
        tpu.vector_store %arg7[%swap3A, %swap3A_260], %swap3A_263 {strides = array<i32>} : memref<64x512xi32, #tpu.memory_space<vmem>>, vector<1x16xi32>,
        %scan3A_264 = arith.constant 1 : i32
        %scan3A_265 = arith.addi %scan3A_84, %scan3A_264 : i32
        %mul3A_266 = arith.constant 16 : i32
        %mul3A_267 = arith.muli %scan3A_265, %mul3A_266 : i32
        %get3A_268 = arith.constant 1 : i32
        %get3A_269 = arith.constant 0 : i32
        %get3A_270 = arith.index_cast %get3A_268 : i32 to index
        %get3A_271 = arith.index_cast %get3A_269 : i32 to index
        %get3A_272 = arith.index_cast %mul3A_267 : i32 to index
        %get3A_273 = tpu.vector_load %arg6[%get3A_270, %get3A_271, %get3A_272] {strides = array<i32>} : memref<2x16x512xi32, #tpu.memory_space<vmem>>, vector<1x1x16xi32>,
        %get3A_274 = vector.shape_cast %get3A_273 : vector<1x1x16xi32> to vector<16xi32>
        %and3A_275 = vector.broadcast %scan3A_26 : i32 to vector<16xi32>
        %and3A_276 = arith.andi %get3A_274, %and3A_275 : vector<16xi32>
        %get3A_277 = arith.constant 1 : i32
        %get3A_278 = arith.constant 1 : i32
        %get3A_279 = arith.index_cast %get3A_277 : i32 to index
        %get3A_280 = arith.index_cast %get3A_278 : i32 to index
        %get3A_281 = arith.index_cast %mul3A_267 : i32 to index
        %get3A_282 = tpu.vector_load %arg6[%get3A_279, %get3A_280, %get3A_281] {strides = array<i32>} : memref<2x16x512xi32, #tpu.memory_space<vmem>>, vector<1x1x16xi32>,
        %get3A_283 = vector.shape_cast %get3A_282 : vector<1x1x16xi32> to vector<16xi32>
        %max3A_284 = arith.maxui %get3A_274, %get3A_283 : vector<16xi32>
        %and3A_285 = vector.broadcast %scan3A_26 : i32 to vector<16xi32>
        %and3A_286 = arith.andi %get3A_283, %and3A_285 : vector<16xi32>
        %max3A_287 = arith.maxui %and3A_276, %and3A_286 : vector<16xi32>
        %get3A_288 = arith.constant 1 : i32
        %get3A_289 = arith.constant 2 : i32
        %get3A_290 = arith.index_cast %get3A_288 : i32 to index
        %get3A_291 = arith.index_cast %get3A_289 : i32 to index
        %get3A_292 = arith.index_cast %mul3A_267 : i32 to index
        %get3A_293 = tpu.vector_load %arg6[%get3A_290, %get3A_291, %get3A_292] {strides = array<i32>} : memref<2x16x512xi32, #tpu.memory_space<vmem>>, vector<1x1x16xi32>,
        %get3A_294 = vector.shape_cast %get3A_293 : vector<1x1x16xi32> to vector<16xi32>
        %max3A_295 = arith.maxui %max3A_284, %get3A_294 : vector<16xi32>
        %and3A_296 = vector.broadcast %scan3A_26 : i32 to vector<16xi32>
        %and3A_297 = arith.andi %get3A_294, %and3A_296 : vector<16xi32>
        %max3A_298 = arith.maxui %max3A_287, %and3A_297 : vector<16xi32>
        %get3A_299 = arith.constant 1 : i32
        %get3A_300 = arith.constant 3 : i32
        %get3A_301 = arith.index_cast %get3A_299 : i32 to index
        %get3A_302 = arith.index_cast %get3A_300 : i32 to index
        %get3A_303 = arith.index_cast %mul3A_267 : i32 to index
        %get3A_304 = tpu.vector_load %arg6[%get3A_301, %get3A_302, %get3A_303] {strides = array<i32>} : memref<2x16x512xi32, #tpu.memory_space<vmem>>, vector<1x1x16xi32>,
        %get3A_305 = vector.shape_cast %get3A_304 : vector<1x1x16xi32> to vector<16xi32>
        %max3A_306 = arith.maxui %max3A_295, %get3A_305 : vector<16xi32>
        %and3A_307 = vector.broadcast %scan3A_26 : i32 to vector<16xi32>
        %and3A_308 = arith.andi %get3A_305, %and3A_307 : vector<16xi32>
        %max3A_309 = arith.maxui %max3A_298, %and3A_308 : vector<16xi32>
        %get3A_310 = arith.constant 1 : i32
        %get3A_311 = arith.constant 4 : i32
        %get3A_312 = arith.index_cast %get3A_310 : i32 to index
        %get3A_313 = arith.index_cast %get3A_311 : i32 to index
        %get3A_314 = arith.index_cast %mul3A_267 : i32 to index
        %get3A_315 = tpu.vector_load %arg6[%get3A_312, %get3A_313, %get3A_314] {strides = array<i32>} : memref<2x16x512xi32, #tpu.memory_space<vmem>>, vector<1x1x16xi32>,
        %get3A_316 = vector.shape_cast %get3A_315 : vector<1x1x16xi32> to vector<16xi32>
        %max3A_317 = arith.maxui %max3A_306, %get3A_316 : vector<16xi32>
        %and3A_318 = vector.broadcast %scan3A_26 : i32 to vector<16xi32>
        %and3A_319 = arith.andi %get3A_316, %and3A_318 : vector<16xi32>
        %max3A_320 = arith.maxui %max3A_309, %and3A_319 : vector<16xi32>
        %get3A_321 = arith.constant 1 : i32
        %get3A_322 = arith.constant 5 : i32
        %get3A_323 = arith.index_cast %get3A_321 : i32 to index
        %get3A_324 = arith.index_cast %get3A_322 : i32 to index
        %get3A_325 = arith.index_cast %mul3A_267 : i32 to index
        %get3A_326 = tpu.vector_load %arg6[%get3A_323, %get3A_324, %get3A_325] {strides = array<i32>} : memref<2x16x512xi32, #tpu.memory_space<vmem>>, vector<1x1x16xi32>,
        %get3A_327 = vector.shape_cast %get3A_326 : vector<1x1x16xi32> to vector<16xi32>
        %max3A_328 = arith.maxui %max3A_317, %get3A_327 : vector<16xi32>
        %and3A_329 = vector.broadcast %scan3A_26 : i32 to vector<16xi32>
        %and3A_330 = arith.andi %get3A_327, %and3A_329 : vector<16xi32>
        %max3A_331 = arith.maxui %max3A_320, %and3A_330 : vector<16xi32>
        %get3A_332 = arith.constant 1 : i32
        %get3A_333 = arith.constant 6 : i32
        %get3A_334 = arith.index_cast %get3A_332 : i32 to index
        %get3A_335 = arith.index_cast %get3A_333 : i32 to index
        %get3A_336 = arith.index_cast %mul3A_267 : i32 to index
        %get3A_337 = tpu.vector_load %arg6[%get3A_334, %get3A_335, %get3A_336] {strides = array<i32>} : memref<2x16x512xi32, #tpu.memory_space<vmem>>, vector<1x1x16xi32>,
        %get3A_338 = vector.shape_cast %get3A_337 : vector<1x1x16xi32> to vector<16xi32>
        %max3A_339 = arith.maxui %max3A_328, %get3A_338 : vector<16xi32>
        %and3A_340 = vector.broadcast %scan3A_26 : i32 to vector<16xi32>
        %and3A_341 = arith.andi %get3A_338, %and3A_340 : vector<16xi32>
        %max3A_342 = arith.maxui %max3A_331, %and3A_341 : vector<16xi32>
        %get3A_343 = arith.constant 1 : i32
        %get3A_344 = arith.constant 7 : i32
        %get3A_345 = arith.index_cast %get3A_343 : i32 to index
        %get3A_346 = arith.index_cast %get3A_344 : i32 to index
        %get3A_347 = arith.index_cast %mul3A_267 : i32 to index
        %get3A_348 = tpu.vector_load %arg6[%get3A_345, %get3A_346, %get3A_347] {strides = array<i32>} : memref<2x16x512xi32, #tpu.memory_space<vmem>>, vector<1x1x16xi32>,
        %get3A_349 = vector.shape_cast %get3A_348 : vector<1x1x16xi32> to vector<16xi32>
        %max3A_350 = arith.maxui %max3A_339, %get3A_349 : vector<16xi32>
        %and3A_351 = vector.broadcast %scan3A_26 : i32 to vector<16xi32>
        %and3A_352 = arith.andi %get3A_349, %and3A_351 : vector<16xi32>
        %max3A_353 = arith.maxui %max3A_342, %and3A_352 : vector<16xi32>
        %get3A_354 = arith.constant 1 : i32
        %get3A_355 = arith.constant 8 : i32
        %get3A_356 = arith.index_cast %get3A_354 : i32 to index
        %get3A_357 = arith.index_cast %get3A_355 : i32 to index
        %get3A_358 = arith.index_cast %mul3A_267 : i32 to index
        %get3A_359 = tpu.vector_load %arg6[%get3A_356, %get3A_357, %get3A_358] {strides = array<i32>} : memref<2x16x512xi32, #tpu.memory_space<vmem>>, vector<1x1x16xi32>,
        %get3A_360 = vector.shape_cast %get3A_359 : vector<1x1x16xi32> to vector<16xi32>
        %max3A_361 = arith.maxui %max3A_350, %get3A_360 : vector<16xi32>
        %and3A_362 = vector.broadcast %scan3A_26 : i32 to vector<16xi32>
        %and3A_363 = arith.andi %get3A_360, %and3A_362 : vector<16xi32>
        %max3A_364 = arith.maxui %max3A_353, %and3A_363 : vector<16xi32>
        %get3A_365 = arith.constant 1 : i32
        %get3A_366 = arith.constant 9 : i32
        %get3A_367 = arith.index_cast %get3A_365 : i32 to index
        %get3A_368 = arith.index_cast %get3A_366 : i32 to index
        %get3A_369 = arith.index_cast %mul3A_267 : i32 to index
        %get3A_370 = tpu.vector_load %arg6[%get3A_367, %get3A_368, %get3A_369] {strides = array<i32>} : memref<2x16x512xi32, #tpu.memory_space<vmem>>, vector<1x1x16xi32>,
        %get3A_371 = vector.shape_cast %get3A_370 : vector<1x1x16xi32> to vector<16xi32>
        %max3A_372 = arith.maxui %max3A_361, %get3A_371 : vector<16xi32>
        %and3A_373 = vector.broadcast %scan3A_26 : i32 to vector<16xi32>
        %and3A_374 = arith.andi %get3A_371, %and3A_373 : vector<16xi32>
        %max3A_375 = arith.maxui %max3A_364, %and3A_374 : vector<16xi32>
        %get3A_376 = arith.constant 1 : i32
        %get3A_377 = arith.constant 10 : i32
        %get3A_378 = arith.index_cast %get3A_376 : i32 to index
        %get3A_379 = arith.index_cast %get3A_377 : i32 to index
        %get3A_380 = arith.index_cast %mul3A_267 : i32 to index
        %get3A_381 = tpu.vector_load %arg6[%get3A_378, %get3A_379, %get3A_380] {strides = array<i32>} : memref<2x16x512xi32, #tpu.memory_space<vmem>>, vector<1x1x16xi32>,
        %get3A_382 = vector.shape_cast %get3A_381 : vector<1x1x16xi32> to vector<16xi32>
        %max3A_383 = arith.maxui %max3A_372, %get3A_382 : vector<16xi32>
        %and3A_384 = vector.broadcast %scan3A_26 : i32 to vector<16xi32>
        %and3A_385 = arith.andi %get3A_382, %and3A_384 : vector<16xi32>
        %max3A_386 = arith.maxui %max3A_375, %and3A_385 : vector<16xi32>
        %get3A_387 = arith.constant 1 : i32
        %get3A_388 = arith.constant 11 : i32
        %get3A_389 = arith.index_cast %get3A_387 : i32 to index
        %get3A_390 = arith.index_cast %get3A_388 : i32 to index
        %get3A_391 = arith.index_cast %mul3A_267 : i32 to index
        %get3A_392 = tpu.vector_load %arg6[%get3A_389, %get3A_390, %get3A_391] {strides = array<i32>} : memref<2x16x512xi32, #tpu.memory_space<vmem>>, vector<1x1x16xi32>,
        %get3A_393 = vector.shape_cast %get3A_392 : vector<1x1x16xi32> to vector<16xi32>
        %max3A_394 = arith.maxui %max3A_383, %get3A_393 : vector<16xi32>
        %and3A_395 = vector.broadcast %scan3A_26 : i32 to vector<16xi32>
        %and3A_396 = arith.andi %get3A_393, %and3A_395 : vector<16xi32>
        %max3A_397 = arith.maxui %max3A_386, %and3A_396 : vector<16xi32>
        %get3A_398 = arith.constant 1 : i32
        %get3A_399 = arith.constant 12 : i32
        %get3A_400 = arith.index_cast %get3A_398 : i32 to index
        %get3A_401 = arith.index_cast %get3A_399 : i32 to index
        %get3A_402 = arith.index_cast %mul3A_267 : i32 to index
        %get3A_403 = tpu.vector_load %arg6[%get3A_400, %get3A_401, %get3A_402] {strides = array<i32>} : memref<2x16x512xi32, #tpu.memory_space<vmem>>, vector<1x1x16xi32>,
        %get3A_404 = vector.shape_cast %get3A_403 : vector<1x1x16xi32> to vector<16xi32>
        %max3A_405 = arith.maxui %max3A_394, %get3A_404 : vector<16xi32>
        %and3A_406 = vector.broadcast %scan3A_26 : i32 to vector<16xi32>
        %and3A_407 = arith.andi %get3A_404, %and3A_406 : vector<16xi32>
        %max3A_408 = arith.maxui %max3A_397, %and3A_407 : vector<16xi32>
        %get3A_409 = arith.constant 1 : i32
        %get3A_410 = arith.constant 13 : i32
        %get3A_411 = arith.index_cast %get3A_409 : i32 to index
        %get3A_412 = arith.index_cast %get3A_410 : i32 to index
        %get3A_413 = arith.index_cast %mul3A_267 : i32 to index
        %get3A_414 = tpu.vector_load %arg6[%get3A_411, %get3A_412, %get3A_413] {strides = array<i32>} : memref<2x16x512xi32, #tpu.memory_space<vmem>>, vector<1x1x16xi32>,
        %get3A_415 = vector.shape_cast %get3A_414 : vector<1x1x16xi32> to vector<16xi32>
        %max3A_416 = arith.maxui %max3A_405, %get3A_415 : vector<16xi32>
        %and3A_417 = vector.broadcast %scan3A_26 : i32 to vector<16xi32>
        %and3A_418 = arith.andi %get3A_415, %and3A_417 : vector<16xi32>
        %max3A_419 = arith.maxui %max3A_408, %and3A_418 : vector<16xi32>
        %get3A_420 = arith.constant 1 : i32
        %get3A_421 = arith.constant 14 : i32
        %get3A_422 = arith.index_cast %get3A_420 : i32 to index
        %get3A_423 = arith.index_cast %get3A_421 : i32 to index
        %get3A_424 = arith.index_cast %mul3A_267 : i32 to index
        %get3A_425 = tpu.vector_load %arg6[%get3A_422, %get3A_423, %get3A_424] {strides = array<i32>} : memref<2x16x512xi32, #tpu.memory_space<vmem>>, vector<1x1x16xi32>,
        %get3A_426 = vector.shape_cast %get3A_425 : vector<1x1x16xi32> to vector<16xi32>
        %max3A_427 = arith.maxui %max3A_416, %get3A_426 : vector<16xi32>
        %and3A_428 = vector.broadcast %scan3A_26 : i32 to vector<16xi32>
        %and3A_429 = arith.andi %get3A_426, %and3A_428 : vector<16xi32>
        %max3A_430 = arith.maxui %max3A_419, %and3A_429 : vector<16xi32>
        %get3A_431 = arith.constant 1 : i32
        %get3A_432 = arith.constant 15 : i32
        %get3A_433 = arith.index_cast %get3A_431 : i32 to index
        %get3A_434 = arith.index_cast %get3A_432 : i32 to index
        %get3A_435 = arith.index_cast %mul3A_267 : i32 to index
        %get3A_436 = tpu.vector_load %arg6[%get3A_433, %get3A_434, %get3A_435] {strides = array<i32>} : memref<2x16x512xi32, #tpu.memory_space<vmem>>, vector<1x1x16xi32>,
        %get3A_437 = vector.shape_cast %get3A_436 : vector<1x1x16xi32> to vector<16xi32>
        %max3A_438 = arith.maxui %max3A_427, %get3A_437 : vector<16xi32>
        %and3A_439 = vector.broadcast %scan3A_26 : i32 to vector<16xi32>
        %and3A_440 = arith.andi %get3A_437, %and3A_439 : vector<16xi32>
        %max3A_441 = arith.maxui %max3A_430, %and3A_440 : vector<16xi32>
        %and3A_442 = vector.broadcast %scan3A_27 : i32 to vector<16xi32>
        %and3A_443 = arith.andi %max3A_438, %and3A_442 : vector<16xi32>
        %or3A_444 = arith.ori %and3A_443, %max3A_441 : vector<16xi32>
        %swap3A_445 = arith.index_cast %add3A_59 : i32 to index
        %swap3A_446 = arith.index_cast %mul3A_267 : i32 to index
        %swap3A_447 = tpu.vector_load %arg7[%swap3A_445, %swap3A_446] {strides = array<i32>} : memref<64x512xi32, #tpu.memory_space<vmem>>, vector<1x16xi32>,
        %swap3A_448 = vector.shape_cast %swap3A_447 : vector<1x16xi32> to vector<16xi32>
        %swap3A_449 = vector.shape_cast %or3A_444 : vector<16xi32> to vector<1x16xi32>
        tpu.vector_store %arg7[%swap3A_445, %swap3A_446], %swap3A_449 {strides = array<i32>} : memref<64x512xi32, #tpu.memory_space<vmem>>, vector<1x16xi32>,
      }
      %scan3A_76 = arith.constant 32 : i32
      %add3A_77 = arith.constant 2 : i32
      %add3A_78 = arith.addi %add3A_59, %add3A_77 : i32
      %lt3A_79 = arith.constant 64 : i32
      %lt3A_80 = arith.cmpi slt, %add3A_78, %lt3A_79 : i32
      %convert_element_type3A_81 = arith.extui %lt3A_80 : i1 to i32
      %cond3A_82 = arith.constant 0 : i32
      %cond3A_83 = arith.cmpi ne, %convert_element_type3A_81, %cond3A_82 : i32
      scf.if %cond3A_83 {
        %add3A_84 = arith.constant 2 : i32
        %add3A_85 = arith.addi %add3A_59, %add3A_84 : i32
        %dma_start3A_86 = arith.constant 1 : i32
        %dma_start3A_87 = arith.constant 0 : i32
        %dma_start3A_88 = arith.constant 0 : i32
        %dma_start3A_89 = tpu.memref_slice %arg6[%dma_start3A_86, %dma_start3A_87, %dma_start3A_88] : memref<2x16x512xi32, #tpu.memory_space<vmem>> -> memref<1x16x512xi32, #tpu.memory_space<vmem>>
        %dma_start3A_90 = tpu.memref_squeeze %dma_start3A_89 : memref<1x16x512xi32, #tpu.memory_space<vmem>> -> memref<16x512xi32, #tpu.memory_space<vmem>>
        %dma_start3A_91 = arith.constant 0 : i32
        %dma_start3A_92 = tpu.memref_slice %arg5[%add3A_85, %dma_start3A_91] : memref<64x16xi32, #tpu.memory_space<vmem>> -> memref<1x16xi32, #tpu.memory_space<vmem>>
        %dma_start3A_93 = tpu.memref_squeeze %dma_start3A_92 : memref<1x16xi32, #tpu.memory_space<vmem>> -> memref<16xi32, #tpu.memory_space<vmem>>
        %dma_start3A_94 = arith.constant 0 : i32
        %dma_start3A_95 = arith.constant 0 : i32
        %dma_start3A_96 = tpu.memref_slice %arg2[%dma_start3A_94, %dma_start3A_95] : memref<8192x512xi32, #tpu.memory_space<hbm>> -> memref<8192x512xi32, #tpu.memory_space<hbm>>
        tpu.enqueue_indirect_dma source(%dma_start3A_96 : memref<8192x512xi32, #tpu.memory_space<hbm>>) target(%dma_start3A_90 : memref<16x512xi32, #tpu.memory_space<vmem>>) offsets(%dma_start3A_93 : memref<16xi32, #tpu.memory_space<vmem>>) semaphore(%arg9 : memref<!tpu.dma_semaphore, #tpu.memory_space<semaphore_mem>>)
      } else {
      }
    }
    %scan3A_32 = arith.constant 32 : i32
    "tpu.region"() ({
      %run_scoped3A = tpu.sem_alloc : memref<!tpu.dma_semaphore, #tpu.memory_space<semaphore_mem>>
      %dma_start3A_33 = arith.constant 0 : i32
      %dma_start3A_34 = tpu.memref_slice %arg4[%mul3A_2, %dma_start3A_33] : memref<2048x512xi32, #tpu.memory_space<hbm>> -> memref<64x512xi32, #tpu.memory_space<hbm>>
      %dma_start3A_35 = arith.constant 0 : i32
      %dma_start3A_36 = tpu.memref_slice %arg4[%mul3A_2, %dma_start3A_35] : memref<2048x512xi32, #tpu.memory_space<hbm>> -> memref<64x512xi32, #tpu.memory_space<hbm>>
      tpu.enqueue_dma source(%arg7 : memref<64x512xi32, #tpu.memory_space<vmem>>) target(%dma_start3A_36 : memref<64x512xi32, #tpu.memory_space<hbm>>) target_semaphore(%run_scoped3A : memref<!tpu.dma_semaphore, #tpu.memory_space<semaphore_mem>>)
      %dma_wait3A = arith.constant 0 : i32
      %dma_wait3A_37 = tpu.memref_slice %arg4[%mul3A_2, %dma_wait3A] : memref<2048x512xi32, #tpu.memory_space<hbm>> -> memref<64x512xi32, #tpu.memory_space<hbm>>
      %dma_wait3A_38 = arith.constant 0 : i32
      %dma_wait3A_39 = tpu.memref_slice %arg4[%mul3A_2, %dma_wait3A_38] : memref<2048x512xi32, #tpu.memory_space<hbm>> -> memref<64x512xi32, #tpu.memory_space<hbm>>
      tpu.wait_dma2 semaphore(%run_scoped3A : memref<!tpu.dma_semaphore, #tpu.memory_space<semaphore_mem>>) src(%arg7 : memref<64x512xi32, #tpu.memory_space<vmem>>) dst(%dma_wait3A_39 : memref<64x512xi32, #tpu.memory_space<hbm>>)
      tpu.yield
    }) : () -> ()
    return
  }
}

module attributes {stable_mosaic.version = 14 : i64} {
  func.func @_pack_body(%arg0: i32, %arg1: memref<2048x512xf32, #tpu.memory_space<vmem>>, %arg2: memref<2048x256xi32, #tpu.memory_space<vmem>>) attributes {dimension_semantics = [#tpu.dimension_semantics<arbitrary>], iteration_bounds = array<i64: 8>, scalar_prefetch = 0 : i64, scratch_operands = 0 : i64, tpu.core_type = #tpu.core_type<tc>, window_params = [{transform_indices = @transform_0, window_bounds = array<i64: 2048, 512>}, {transform_indices = @transform_1, window_bounds = array<i64: 2048, 256>}]} {
    %get3A = arith.constant 0 : index
    %get3A_0 = arith.constant 0 : index
    %get3A_1 = vector.load %arg1[%get3A, %get3A_0] : memref<2048x512xf32, #tpu.memory_space<vmem>>, vector<2048x512xf32>
    %slice3A = vector.extract_strided_slice %get3A_1 {offsets = [0, 0], sizes = [2048, 256], strides = [1, 1]} : vector<2048x512xf32> to vector<2048x256xf32>
    %convert_element_type3A = arith.truncf %slice3A : vector<2048x256xf32> to vector<2048x256xbf16>
    %bitcast_convert_type3A = tpu.bitcast %convert_element_type3A : vector<2048x256xbf16> -> vector<2048x256xi16>
    %convert_element_type3A_2 = arith.extui %bitcast_convert_type3A : vector<2048x256xi16> to vector<2048x256xi32>
    %ge3A = arith.constant 32768 : i32
    %ge3A_3 = vector.broadcast %ge3A : i32 to vector<2048x256xi32>
    %ge3A_4 = arith.cmpi uge, %convert_element_type3A_2, %ge3A_3 : vector<2048x256xi32>
    %xor3A = arith.constant 65535 : i32
    %xor3A_5 = vector.broadcast %xor3A : i32 to vector<2048x256xi32>
    %xor3A_6 = arith.xori %convert_element_type3A_2, %xor3A_5 : vector<2048x256xi32>
    %xor3A_7 = arith.constant 32768 : i32
    %xor3A_8 = vector.broadcast %xor3A_7 : i32 to vector<2048x256xi32>
    %xor3A_9 = arith.xori %convert_element_type3A_2, %xor3A_8 : vector<2048x256xi32>
    %select_n3A = arith.select %ge3A_4, %xor3A_6, %xor3A_9 : vector<2048x256xi1>, vector<2048x256xi32>
    %slice3A_10 = vector.extract_strided_slice %get3A_1 {offsets = [0, 256], sizes = [2048, 256], strides = [1, 1]} : vector<2048x512xf32> to vector<2048x256xf32>
    %convert_element_type3A_11 = arith.truncf %slice3A_10 : vector<2048x256xf32> to vector<2048x256xbf16>
    %bitcast_convert_type3A_12 = tpu.bitcast %convert_element_type3A_11 : vector<2048x256xbf16> -> vector<2048x256xi16>
    %convert_element_type3A_13 = arith.extui %bitcast_convert_type3A_12 : vector<2048x256xi16> to vector<2048x256xi32>
    %ge3A_14 = arith.constant 32768 : i32
    %ge3A_15 = vector.broadcast %ge3A_14 : i32 to vector<2048x256xi32>
    %ge3A_16 = arith.cmpi uge, %convert_element_type3A_13, %ge3A_15 : vector<2048x256xi32>
    %xor3A_17 = arith.constant 65535 : i32
    %xor3A_18 = vector.broadcast %xor3A_17 : i32 to vector<2048x256xi32>
    %xor3A_19 = arith.xori %convert_element_type3A_13, %xor3A_18 : vector<2048x256xi32>
    %xor3A_20 = arith.constant 32768 : i32
    %xor3A_21 = vector.broadcast %xor3A_20 : i32 to vector<2048x256xi32>
    %xor3A_22 = arith.xori %convert_element_type3A_13, %xor3A_21 : vector<2048x256xi32>
    %select_n3A_23 = arith.select %ge3A_16, %xor3A_19, %xor3A_22 : vector<2048x256xi1>, vector<2048x256xi32>
    %shift_left3A = arith.constant 16 : i32
    %shift_left3A_24 = vector.broadcast %shift_left3A : i32 to vector<2048x256xi32>
    %shift_left3A_25 = arith.shli %select_n3A_23, %shift_left3A_24 : vector<2048x256xi32>
    %or3A = arith.ori %select_n3A, %shift_left3A_25 : vector<2048x256xi32>
    %swap3A = arith.constant 0 : index
    %swap3A_26 = arith.constant 0 : index
    %swap3A_27 = vector.load %arg2[%swap3A, %swap3A_26] : memref<2048x256xi32, #tpu.memory_space<vmem>>, vector<2048x256xi32>
    tpu.vector_store %arg2[%swap3A, %swap3A_26], %or3A {strides = array<i32>} : memref<2048x256xi32, #tpu.memory_space<vmem>>, vector<2048x256xi32>,
    return
  }
  func.func @transform_0(%arg0: i32) -> (i32, i32) {
    %c0_i32 = arith.constant 0 : i32
    %c0_i32_0 = arith.constant 0 : i32
    return %arg0, %c0_i32 : i32, i32
  }
  func.func @transform_1(%arg0: i32) -> (i32, i32) {
    %c0_i32 = arith.constant 0 : i32
    %c0_i32_0 = arith.constant 0 : i32
    return %arg0, %c0_i32 : i32, i32
  }
}

module attributes {stable_mosaic.version = 14 : i64} {
  func.func @_mlp_ln_body(%arg0: i32, %arg1: memref<256x512xi32, #tpu.memory_space<vmem>>, %arg2: memref<512x512xbf16, #tpu.memory_space<vmem>>, %arg3: memref<1x512xf32, #tpu.memory_space<vmem>>, %arg4: memref<512x512xbf16, #tpu.memory_space<vmem>>, %arg5: memref<1x512xf32, #tpu.memory_space<vmem>>, %arg6: memref<1x512xf32, #tpu.memory_space<vmem>>, %arg7: memref<1x512xf32, #tpu.memory_space<vmem>>, %arg8: memref<256x2x512xf32, #tpu.memory_space<vmem>>) attributes {dimension_semantics = [#tpu.dimension_semantics<arbitrary>], iteration_bounds = array<i64: 8>, scalar_prefetch = 0 : i64, scratch_operands = 0 : i64, tpu.core_type = #tpu.core_type<tc>, window_params = [{transform_indices = @transform_0, window_bounds = array<i64: 256, 512>}, {pipeline_mode = #tpu.pipeline_mode<synchronous>, transform_indices = @transform_1, window_bounds = array<i64: 512, 512>}, {pipeline_mode = #tpu.pipeline_mode<synchronous>, transform_indices = @transform_2, window_bounds = array<i64: 1, 512>}, {pipeline_mode = #tpu.pipeline_mode<synchronous>, transform_indices = @transform_3, window_bounds = array<i64: 512, 512>}, {pipeline_mode = #tpu.pipeline_mode<synchronous>, transform_indices = @transform_4, window_bounds = array<i64: 1, 512>}, {pipeline_mode = #tpu.pipeline_mode<synchronous>, transform_indices = @transform_5, window_bounds = array<i64: 1, 512>}, {pipeline_mode = #tpu.pipeline_mode<synchronous>, transform_indices = @transform_6, window_bounds = array<i64: 1, 512>}, {transform_indices = @transform_7, window_bounds = array<i64: 256, 2, 512>}]} {
    %get3A = arith.constant 0 : index
    %get3A_0 = arith.constant 0 : index
    %get3A_1 = vector.load %arg1[%get3A, %get3A_0] : memref<256x512xi32, #tpu.memory_space<vmem>>, vector<256x512xi32>
    %slice3A = vector.extract_strided_slice %get3A_1 {offsets = [0, 0], sizes = [256, 256], strides = [1, 1]} : vector<256x512xi32> to vector<256x256xi32>
    %and3A = arith.constant 65535 : i32
    %and3A_2 = vector.broadcast %and3A : i32 to vector<256x256xi32>
    %and3A_3 = arith.andi %slice3A, %and3A_2 : vector<256x256xi32>
    %ge3A = arith.constant 32768 : i32
    %ge3A_4 = vector.broadcast %ge3A : i32 to vector<256x256xi32>
    %ge3A_5 = arith.cmpi uge, %and3A_3, %ge3A_4 : vector<256x256xi32>
    %xor3A = arith.constant 32768 : i32
    %xor3A_6 = vector.broadcast %xor3A : i32 to vector<256x256xi32>
    %xor3A_7 = arith.xori %and3A_3, %xor3A_6 : vector<256x256xi32>
    %xor3A_8 = arith.constant 65535 : i32
    %xor3A_9 = vector.broadcast %xor3A_8 : i32 to vector<256x256xi32>
    %xor3A_10 = arith.xori %and3A_3, %xor3A_9 : vector<256x256xi32>
    %select_n3A = arith.select %ge3A_5, %xor3A_7, %xor3A_10 : vector<256x256xi1>, vector<256x256xi32>
    %convert_element_type3A = arith.trunci %select_n3A : vector<256x256xi32> to vector<256x256xi16>
    %bitcast_convert_type3A = tpu.bitcast %convert_element_type3A : vector<256x256xi16> -> vector<256x256xbf16>
    %shift_right_logical3A = arith.constant 16 : i32
    %shift_right_logical3A_11 = vector.broadcast %shift_right_logical3A : i32 to vector<256x256xi32>
    %shift_right_logical3A_12 = arith.shrui %slice3A, %shift_right_logical3A_11 : vector<256x256xi32>
    %ge3A_13 = arith.constant 32768 : i32
    %ge3A_14 = vector.broadcast %ge3A_13 : i32 to vector<256x256xi32>
    %ge3A_15 = arith.cmpi uge, %shift_right_logical3A_12, %ge3A_14 : vector<256x256xi32>
    %xor3A_16 = arith.constant 32768 : i32
    %xor3A_17 = vector.broadcast %xor3A_16 : i32 to vector<256x256xi32>
    %xor3A_18 = arith.xori %shift_right_logical3A_12, %xor3A_17 : vector<256x256xi32>
    %xor3A_19 = arith.constant 65535 : i32
    %xor3A_20 = vector.broadcast %xor3A_19 : i32 to vector<256x256xi32>
    %xor3A_21 = arith.xori %shift_right_logical3A_12, %xor3A_20 : vector<256x256xi32>
    %select_n3A_22 = arith.select %ge3A_15, %xor3A_18, %xor3A_21 : vector<256x256xi1>, vector<256x256xi32>
    %convert_element_type3A_23 = arith.trunci %select_n3A_22 : vector<256x256xi32> to vector<256x256xi16>
    %bitcast_convert_type3A_24 = tpu.bitcast %convert_element_type3A_23 : vector<256x256xi16> -> vector<256x256xbf16>
    %concatenate3A = tpu.concatenate %bitcast_convert_type3A, %bitcast_convert_type3A_24 in 1 : vector<256x256xbf16>, vector<256x256xbf16> -> vector<256x512xbf16>
    %slice3A_25 = vector.extract_strided_slice %get3A_1 {offsets = [0, 256], sizes = [256, 256], strides = [1, 1]} : vector<256x512xi32> to vector<256x256xi32>
    %and3A_26 = arith.constant 65535 : i32
    %and3A_27 = vector.broadcast %and3A_26 : i32 to vector<256x256xi32>
    %and3A_28 = arith.andi %slice3A_25, %and3A_27 : vector<256x256xi32>
    %ge3A_29 = arith.constant 32768 : i32
    %ge3A_30 = vector.broadcast %ge3A_29 : i32 to vector<256x256xi32>
    %ge3A_31 = arith.cmpi uge, %and3A_28, %ge3A_30 : vector<256x256xi32>
    %xor3A_32 = arith.constant 32768 : i32
    %xor3A_33 = vector.broadcast %xor3A_32 : i32 to vector<256x256xi32>
    %xor3A_34 = arith.xori %and3A_28, %xor3A_33 : vector<256x256xi32>
    %xor3A_35 = arith.constant 65535 : i32
    %xor3A_36 = vector.broadcast %xor3A_35 : i32 to vector<256x256xi32>
    %xor3A_37 = arith.xori %and3A_28, %xor3A_36 : vector<256x256xi32>
    %select_n3A_38 = arith.select %ge3A_31, %xor3A_34, %xor3A_37 : vector<256x256xi1>, vector<256x256xi32>
    %convert_element_type3A_39 = arith.trunci %select_n3A_38 : vector<256x256xi32> to vector<256x256xi16>
    %bitcast_convert_type3A_40 = tpu.bitcast %convert_element_type3A_39 : vector<256x256xi16> -> vector<256x256xbf16>
    %shift_right_logical3A_41 = arith.constant 16 : i32
    %shift_right_logical3A_42 = vector.broadcast %shift_right_logical3A_41 : i32 to vector<256x256xi32>
    %shift_right_logical3A_43 = arith.shrui %slice3A_25, %shift_right_logical3A_42 : vector<256x256xi32>
    %ge3A_44 = arith.constant 32768 : i32
    %ge3A_45 = vector.broadcast %ge3A_44 : i32 to vector<256x256xi32>
    %ge3A_46 = arith.cmpi uge, %shift_right_logical3A_43, %ge3A_45 : vector<256x256xi32>
    %xor3A_47 = arith.constant 32768 : i32
    %xor3A_48 = vector.broadcast %xor3A_47 : i32 to vector<256x256xi32>
    %xor3A_49 = arith.xori %shift_right_logical3A_43, %xor3A_48 : vector<256x256xi32>
    %xor3A_50 = arith.constant 65535 : i32
    %xor3A_51 = vector.broadcast %xor3A_50 : i32 to vector<256x256xi32>
    %xor3A_52 = arith.xori %shift_right_logical3A_43, %xor3A_51 : vector<256x256xi32>
    %select_n3A_53 = arith.select %ge3A_46, %xor3A_49, %xor3A_52 : vector<256x256xi1>, vector<256x256xi32>
    %convert_element_type3A_54 = arith.trunci %select_n3A_53 : vector<256x256xi32> to vector<256x256xi16>
    %bitcast_convert_type3A_55 = tpu.bitcast %convert_element_type3A_54 : vector<256x256xi16> -> vector<256x256xbf16>
    %concatenate3A_56 = tpu.concatenate %bitcast_convert_type3A_40, %bitcast_convert_type3A_55 in 1 : vector<256x256xbf16>, vector<256x256xbf16> -> vector<256x512xbf16>
    %get3A_57 = arith.constant 0 : index
    %get3A_58 = arith.constant 0 : index
    %get3A_59 = vector.load %arg2[%get3A_57, %get3A_58] : memref<512x512xbf16, #tpu.memory_space<vmem>>, vector<512x512xbf16>
    %get3A_60 = arith.constant 0 : index
    %get3A_61 = arith.constant 0 : index
    %get3A_62 = vector.load %arg3[%get3A_60, %get3A_61] : memref<1x512xf32, #tpu.memory_space<vmem>>, vector<1x512xf32>
    %get3A_63 = arith.constant 0 : index
    %get3A_64 = arith.constant 0 : index
    %get3A_65 = vector.load %arg4[%get3A_63, %get3A_64] : memref<512x512xbf16, #tpu.memory_space<vmem>>, vector<512x512xbf16>
    %get3A_66 = arith.constant 0 : index
    %get3A_67 = arith.constant 0 : index
    %get3A_68 = vector.load %arg5[%get3A_66, %get3A_67] : memref<1x512xf32, #tpu.memory_space<vmem>>, vector<1x512xf32>
    %get3A_69 = arith.constant 0 : index
    %get3A_70 = arith.constant 0 : index
    %get3A_71 = vector.load %arg6[%get3A_69, %get3A_70] : memref<1x512xf32, #tpu.memory_space<vmem>>, vector<1x512xf32>
    %get3A_72 = arith.constant 0 : index
    %get3A_73 = arith.constant 0 : index
    %get3A_74 = vector.load %arg7[%get3A_72, %get3A_73] : memref<1x512xf32, #tpu.memory_space<vmem>>, vector<1x512xf32>
    %dot_general3A = arith.constant dense<0.000000e+00> : vector<256x512xf32>
    %dot_general3A_75 = tpu.matmul %concatenate3A, %get3A_59, %dot_general3A {dimension_numbers = #tpu.dot_dimension_numbers<[1], [0], [0], [1], [0, 0, 1, 1], [], []>, transpose_lhs_hint = false} : vector<256x512xbf16>, vector<512x512xbf16>, vector<256x512xf32> -> vector<256x512xf32>
    %add3A = vector.broadcast %get3A_62 : vector<1x512xf32> to vector<256x512xf32>
    %add3A_76 = arith.addf %dot_general3A_75, %add3A : vector<256x512xf32>
    %max3A = arith.constant 0.000000e+00 : f32
    %max3A_77 = vector.broadcast %max3A : f32 to vector<256x512xf32>
    %max3A_78 = arith.maximumf %add3A_76, %max3A_77 : vector<256x512xf32>
    %convert_element_type3A_79 = arith.truncf %max3A_78 : vector<256x512xf32> to vector<256x512xbf16>
    %dot_general3A_80 = arith.constant dense<0.000000e+00> : vector<256x512xf32>
    %dot_general3A_81 = tpu.matmul %convert_element_type3A_79, %get3A_65, %dot_general3A_80 {dimension_numbers = #tpu.dot_dimension_numbers<[1], [0], [0], [1], [0, 0, 1, 1], [], []>, transpose_lhs_hint = false} : vector<256x512xbf16>, vector<512x512xbf16>, vector<256x512xf32> -> vector<256x512xf32>
    %add3A_82 = vector.broadcast %get3A_68 : vector<1x512xf32> to vector<256x512xf32>
    %add3A_83 = arith.addf %dot_general3A_81, %add3A_82 : vector<256x512xf32>
    %reduce_sum3A = arith.constant dense<0.000000e+00> : vector<256xf32>
    %reduce_sum3A_84 = vector.multi_reduction <add>, %add3A_83, %reduce_sum3A [1] : vector<256x512xf32> to vector<256xf32>
    %broadcast_in_dim3A = vector.shape_cast %reduce_sum3A_84 : vector<256xf32> to vector<256x1xf32>
    %div3A = arith.constant 5.120000e+02 : f32
    %div3A_85 = vector.broadcast %div3A : f32 to vector<256x1xf32>
    %div3A_86 = arith.divf %broadcast_in_dim3A, %div3A_85 : vector<256x1xf32>
    %sub3A = vector.broadcast %div3A_86 : vector<256x1xf32> to vector<256x512xf32>
    %sub3A_87 = arith.subf %add3A_83, %sub3A : vector<256x512xf32>
    %square3A = arith.mulf %sub3A_87, %sub3A_87 : vector<256x512xf32>
    %reduce_sum3A_88 = arith.constant dense<0.000000e+00> : vector<256xf32>
    %reduce_sum3A_89 = vector.multi_reduction <add>, %square3A, %reduce_sum3A_88 [1] : vector<256x512xf32> to vector<256xf32>
    %broadcast_in_dim3A_90 = vector.shape_cast %reduce_sum3A_89 : vector<256xf32> to vector<256x1xf32>
    %div3A_91 = arith.constant 5.120000e+02 : f32
    %div3A_92 = vector.broadcast %div3A_91 : f32 to vector<256x1xf32>
    %div3A_93 = arith.divf %broadcast_in_dim3A_90, %div3A_92 : vector<256x1xf32>
    %sub3A_94 = vector.broadcast %div3A_86 : vector<256x1xf32> to vector<256x512xf32>
    %sub3A_95 = arith.subf %add3A_83, %sub3A_94 : vector<256x512xf32>
    %add3A_96 = arith.constant 9.99999974E-6 : f32
    %add3A_97 = vector.broadcast %add3A_96 : f32 to vector<256x1xf32>
    %add3A_98 = arith.addf %div3A_93, %add3A_97 : vector<256x1xf32>
    %rsqrt3A = math.rsqrt %add3A_98 : vector<256x1xf32>
    %mul3A = vector.broadcast %rsqrt3A : vector<256x1xf32> to vector<256x512xf32>
    %mul3A_99 = arith.mulf %sub3A_95, %mul3A : vector<256x512xf32>
    %mul3A_100 = vector.broadcast %get3A_71 : vector<1x512xf32> to vector<256x512xf32>
    %mul3A_101 = arith.mulf %mul3A_99, %mul3A_100 : vector<256x512xf32>
    %add3A_102 = vector.broadcast %get3A_74 : vector<1x512xf32> to vector<256x512xf32>
    %add3A_103 = arith.addf %mul3A_101, %add3A_102 : vector<256x512xf32>
    %swap3A = arith.constant 0 : index
    %swap3A_104 = arith.constant 0 : index
    %swap3A_105 = arith.constant 0 : index
    %swap3A_106 = vector.load %arg8[%swap3A, %swap3A_104, %swap3A_105] : memref<256x2x512xf32, #tpu.memory_space<vmem>>, vector<256x1x512xf32>
    %swap3A_107 = vector.shape_cast %swap3A_106 : vector<256x1x512xf32> to vector<256x512xf32>
    %swap3A_108 = vector.shape_cast %add3A_103 : vector<256x512xf32> to vector<256x1x512xf32>
    tpu.vector_store %arg8[%swap3A, %swap3A_104, %swap3A_105], %swap3A_108 {strides = array<i32>} : memref<256x2x512xf32, #tpu.memory_space<vmem>>, vector<256x1x512xf32>,
    %dot_general3A_109 = arith.constant dense<0.000000e+00> : vector<256x512xf32>
    %dot_general3A_110 = tpu.matmul %concatenate3A_56, %get3A_59, %dot_general3A_109 {dimension_numbers = #tpu.dot_dimension_numbers<[1], [0], [0], [1], [0, 0, 1, 1], [], []>, transpose_lhs_hint = false} : vector<256x512xbf16>, vector<512x512xbf16>, vector<256x512xf32> -> vector<256x512xf32>
    %add3A_111 = vector.broadcast %get3A_62 : vector<1x512xf32> to vector<256x512xf32>
    %add3A_112 = arith.addf %dot_general3A_110, %add3A_111 : vector<256x512xf32>
    %max3A_113 = arith.constant 0.000000e+00 : f32
    %max3A_114 = vector.broadcast %max3A_113 : f32 to vector<256x512xf32>
    %max3A_115 = arith.maximumf %add3A_112, %max3A_114 : vector<256x512xf32>
    %convert_element_type3A_116 = arith.truncf %max3A_115 : vector<256x512xf32> to vector<256x512xbf16>
    %dot_general3A_117 = arith.constant dense<0.000000e+00> : vector<256x512xf32>
    %dot_general3A_118 = tpu.matmul %convert_element_type3A_116, %get3A_65, %dot_general3A_117 {dimension_numbers = #tpu.dot_dimension_numbers<[1], [0], [0], [1], [0, 0, 1, 1], [], []>, transpose_lhs_hint = false} : vector<256x512xbf16>, vector<512x512xbf16>, vector<256x512xf32> -> vector<256x512xf32>
    %add3A_119 = vector.broadcast %get3A_68 : vector<1x512xf32> to vector<256x512xf32>
    %add3A_120 = arith.addf %dot_general3A_118, %add3A_119 : vector<256x512xf32>
    %reduce_sum3A_121 = arith.constant dense<0.000000e+00> : vector<256xf32>
    %reduce_sum3A_122 = vector.multi_reduction <add>, %add3A_120, %reduce_sum3A_121 [1] : vector<256x512xf32> to vector<256xf32>
    %broadcast_in_dim3A_123 = vector.shape_cast %reduce_sum3A_122 : vector<256xf32> to vector<256x1xf32>
    %div3A_124 = arith.constant 5.120000e+02 : f32
    %div3A_125 = vector.broadcast %div3A_124 : f32 to vector<256x1xf32>
    %div3A_126 = arith.divf %broadcast_in_dim3A_123, %div3A_125 : vector<256x1xf32>
    %sub3A_127 = vector.broadcast %div3A_126 : vector<256x1xf32> to vector<256x512xf32>
    %sub3A_128 = arith.subf %add3A_120, %sub3A_127 : vector<256x512xf32>
    %square3A_129 = arith.mulf %sub3A_128, %sub3A_128 : vector<256x512xf32>
    %reduce_sum3A_130 = arith.constant dense<0.000000e+00> : vector<256xf32>
    %reduce_sum3A_131 = vector.multi_reduction <add>, %square3A_129, %reduce_sum3A_130 [1] : vector<256x512xf32> to vector<256xf32>
    %broadcast_in_dim3A_132 = vector.shape_cast %reduce_sum3A_131 : vector<256xf32> to vector<256x1xf32>
    %div3A_133 = arith.constant 5.120000e+02 : f32
    %div3A_134 = vector.broadcast %div3A_133 : f32 to vector<256x1xf32>
    %div3A_135 = arith.divf %broadcast_in_dim3A_132, %div3A_134 : vector<256x1xf32>
    %sub3A_136 = vector.broadcast %div3A_126 : vector<256x1xf32> to vector<256x512xf32>
    %sub3A_137 = arith.subf %add3A_120, %sub3A_136 : vector<256x512xf32>
    %add3A_138 = arith.constant 9.99999974E-6 : f32
    %add3A_139 = vector.broadcast %add3A_138 : f32 to vector<256x1xf32>
    %add3A_140 = arith.addf %div3A_135, %add3A_139 : vector<256x1xf32>
    %rsqrt3A_141 = math.rsqrt %add3A_140 : vector<256x1xf32>
    %mul3A_142 = vector.broadcast %rsqrt3A_141 : vector<256x1xf32> to vector<256x512xf32>
    %mul3A_143 = arith.mulf %sub3A_137, %mul3A_142 : vector<256x512xf32>
    %mul3A_144 = vector.broadcast %get3A_71 : vector<1x512xf32> to vector<256x512xf32>
    %mul3A_145 = arith.mulf %mul3A_143, %mul3A_144 : vector<256x512xf32>
    %add3A_146 = vector.broadcast %get3A_74 : vector<1x512xf32> to vector<256x512xf32>
    %add3A_147 = arith.addf %mul3A_145, %add3A_146 : vector<256x512xf32>
    %swap3A_148 = arith.constant 0 : index
    %swap3A_149 = arith.constant 1 : index
    %swap3A_150 = arith.constant 0 : index
    %swap3A_151 = vector.load %arg8[%swap3A_148, %swap3A_149, %swap3A_150] : memref<256x2x512xf32, #tpu.memory_space<vmem>>, vector<256x1x512xf32>
    %swap3A_152 = vector.shape_cast %swap3A_151 : vector<256x1x512xf32> to vector<256x512xf32>
    %swap3A_153 = vector.shape_cast %add3A_147 : vector<256x512xf32> to vector<256x1x512xf32>
    tpu.vector_store %arg8[%swap3A_148, %swap3A_149, %swap3A_150], %swap3A_153 {strides = array<i32>} : memref<256x2x512xf32, #tpu.memory_space<vmem>>, vector<256x1x512xf32>,
    return
  }
  func.func @transform_0(%arg0: i32) -> (i32, i32) {
    %c0_i32 = arith.constant 0 : i32
    %c0_i32_0 = arith.constant 0 : i32
    return %arg0, %c0_i32 : i32, i32
  }
  func.func @transform_1(%arg0: i32) -> (i32, i32) {
    %c0_i32 = arith.constant 0 : i32
    %c0_i32_0 = arith.constant 0 : i32
    %c0_i32_1 = arith.constant 0 : i32
    return %c0_i32, %c0_i32_0 : i32, i32
  }
  func.func @transform_2(%arg0: i32) -> (i32, i32) {
    %c0_i32 = arith.constant 0 : i32
    %c0_i32_0 = arith.constant 0 : i32
    %c0_i32_1 = arith.constant 0 : i32
    return %c0_i32, %c0_i32_0 : i32, i32
  }
  func.func @transform_3(%arg0: i32) -> (i32, i32) {
    %c0_i32 = arith.constant 0 : i32
    %c0_i32_0 = arith.constant 0 : i32
    %c0_i32_1 = arith.constant 0 : i32
    return %c0_i32, %c0_i32_0 : i32, i32
  }
  func.func @transform_4(%arg0: i32) -> (i32, i32) {
    %c0_i32 = arith.constant 0 : i32
    %c0_i32_0 = arith.constant 0 : i32
    %c0_i32_1 = arith.constant 0 : i32
    return %c0_i32, %c0_i32_0 : i32, i32
  }
  func.func @transform_5(%arg0: i32) -> (i32, i32) {
    %c0_i32 = arith.constant 0 : i32
    %c0_i32_0 = arith.constant 0 : i32
    %c0_i32_1 = arith.constant 0 : i32
    return %c0_i32, %c0_i32_0 : i32, i32
  }
  func.func @transform_6(%arg0: i32) -> (i32, i32) {
    %c0_i32 = arith.constant 0 : i32
    %c0_i32_0 = arith.constant 0 : i32
    %c0_i32_1 = arith.constant 0 : i32
    return %c0_i32, %c0_i32_0 : i32, i32
  }
  func.func @transform_7(%arg0: i32) -> (i32, i32, i32) {
    %c0_i32 = arith.constant 0 : i32
    %c0_i32_0 = arith.constant 0 : i32
    %c0_i32_1 = arith.constant 0 : i32
    return %arg0, %c0_i32, %c0_i32_0 : i32, i32, i32
  }
}

</mosaic_0001>

<sc_bundles>
// kernel: kernel.5.cloned.1.call-start
scs
__scs_entry_jumppad:
0x0: {  	(pc) =	sbr.rel $0x88, $3  }
0x1: {  	(tag) =	ssettag $0x0;
	lr =	simm.s32 $0x1  }
0x2: {  	[smem:$0x3F99] =	sst lr;
	_ =	strace $0xD0000000  }
0x3: {  	_ = 	snop  }
0x4: {  	_ = 	snop  }
0x5: {  	_ = 	snop  }
0x6: {  	_ = 	snop  }
0x7: {  	_ = 	snop  }
__scs_overlays_trampoline_lowered:
0x8: {  	[smem:$0x3FA8] =	sst s0  }
0x9: {  	[smem:$0x3FA9] =	sst s1  }
0xa: {  	[smem:$0x3FAA] =	sst s2  }
0xb: {  	[smem:$0x3FAB] =	sst s3  }
0xc: {  	[smem:$0x3FAC] =	sst s4  }
0xd: {  	[smem:$0x3FAD] =	sst s5  }
0xe: {  	[smem:$0x3FAE] =	sst s6  }
0xf: {  	[smem:$0x3FAF] =	sst s7  }
0x10: {  	[smem:$0x3FB0] =	sst s8  }
0x11: {  	[smem:$0x3FB1] =	sst s9;
	s0 =	simm.s32 @!p0 $0x0  }
0x12: {  	s1 =	sld [smem:$0x3F97];
	s0 =	simm.s32 @p0 $0x1  }
0x13: {  	[smem:$0x3FB2] =	sst s0;
	s0 =	simm.s32 @!p1 $0x0  }
0x14: {  	s2 =	sld [smem:$0x3F96];
	s0 =	simm.s32 @p1 $0x1  }
0x15: {  	[smem:$0x3FB3] =	sst s0;
	s0 =	simm.s32 @!p2 $0x0  }
0x16: {  	s3 =	sld [smem:$0x3FDB];
	s0 =	simm.s32 @p2 $0x1  }
0x17: {  	s4 =	simm.s32 $0x1BF5;
	[smem:$0x3FB5] =	sst s0  }
0x18: {  	s0 =	sld [smem:$0x3F98];
	_ =	swait.ge [sflag:s4], $0x0  }
0x19: {  	s7 =	sld [smem:$0x3F99]  }
0x1a: {  	s8 =	sadd.s32 $0xFFFFE003, lr  }
0x1b: {  	s9 =	sadd.s32 $0xFFFFFEF7, lr;
	s5 =	simm.s32 $0xFFFFFFFF;
	p2 =	slt.u32 s8, $0xFFFFF086  }
0x1c: {  	p1 =	slt.u32 s9, $0xF7A;
	s5 =	simm.s32 @!p2 $0x0  }
0x1d: {  	s5 =	simm.s32 @p1 $0x1;
	p0 =	seq.s32 s7, s2  }
0x1e: {  	s7 =	smul.u32 @!p0 $0xF7A, s2;
	p2 =	seq.s32 @!p0 s5, $0x0  }
0x1f: {  	s9 =	smul.u32 $0xF7A, s1;
	s8 =	simm.s32 @!p0 $0x1BF5;
	p2 =	por !p2, p0  }
0x20: {  	[sflag:s8] =	ssyncset.s32 @!p0 $0xFFFFF086;
	s6 =	sadd.s32 @!p0 s3, s7;
	s7 =	simm.s32 @!p0 $0x108  }
0x21: {  	s3 =	sadd.s32 s3, s9;
	s6 =	sadd.s32 @!p0 $0x88, s6;
	s7 =	simm.s32 @p2 $0x1082  }
0x22: {  	[simem:s7], [sflag:s8] =	dma.local @!p0 [hbm:s6], $0xF7A  }
0x23: {  	s9 =	sor.u32 $0xD0000000, s2;
	s6 =	simm.s32 $0x108;
	_ =	swait.ge @!p0 [sflag:s8], $0x0  }
0x24: {  	s3 =	sadd.s32 $0x88, s3;
	s6 =	simm.s32 @!p1 $0x1082;
	[sflag:s4] =	ssyncset.s32 $0xFFFFF086  }
0x25: {  	[simem:s6], [sflag:s4] =	dma.local [hbm:s3], $0xF7A  }
0x26: {  	[smem:$0x3F99] =	sst s1;
	(tag) =	ssettag s2;
	_ =	strace s9  }
0x27: {  	s1 =	sld [smem:$0x3FA9]  }
0x28: {  	s2 =	sld [smem:$0x3FAA]  }
0x29: {  	s4 =	sld [smem:$0x3FAC]  }
0x2a: {  	p0 =	seq.s32 s5, $0x0;
	s5 =	sld [smem:$0x3FAD]  }
0x2b: {  	s6 =	sld [smem:$0x3FAE]  }
0x2c: {  	s7 =	sld [smem:$0x3FAF]  }
0x2d: {  	s3 =	simm.s32 $0x108;
	s8 =	sld [smem:$0x3FB0]  }
0x2e: {  	s3 =	simm.s32 @!p0 $0x1082;
	s9 =	sld [smem:$0x3FB1]  }
0x2f: {  	lr =	sadd.s32 s0, s3;
	s0 =	sld [smem:$0x3FA8]  }
0x30: {  	s3 =	sld [smem:$0x3FAB]  }
0x31: {  	[smem:$0x3FB4] =	sst s10  }
0x32: {  	s10 =	sld [smem:$0x3FB2];
	_ =	sdelay $0x3  }
0x33: {  	p0 =	seq.s32 s10, $0x1;
	s10 =	sld [smem:$0x3FB4];
	_ =	sdelay $0x3  }
0x34: {  	[smem:$0x3FB4] =	sst s10  }
0x35: {  	s10 =	sld [smem:$0x3FB3];
	_ =	sdelay $0x3  }
0x36: {  	p1 =	seq.s32 s10, $0x1;
	s10 =	sld [smem:$0x3FB4];
	_ =	sdelay $0x3  }
0x37: {  	[smem:$0x3FB4] =	sst s10  }
0x38: {  	s10 =	sld [smem:$0x3FB5]  }
0x39: {  	_ = 	snop;
	(pc) =	sbr.ind lr, $3  }
0x3a: {  	_ = 	snop  }
0x3b: {  	_ = 	snop  }
0x3c: {  	p2 =	seq.s32 s10, $0x1;
	s10 =	sld [smem:$0x3FB4]  }
0x3d: {  	_ =	shalt  }
0x3e: {  	_ =	shalt  }
0x3f: {  	_ =	shalt  }
0x40: {  	_ =	shalt  }
0x41: {  	_ =	shalt  }
0x42: {  	_ =	shalt  }
0x43: {  	_ =	shalt  }
0x44: {  	_ =	shalt  }
0x45: {  	_ =	shalt  }
0x46: {  	_ =	shalt  }
0x47: {  	_ =	shalt  }
0x48: {  	_ =	shalt  }
0x49: {  	_ =	shalt  }
0x4a: {  	_ =	shalt  }
0x4b: {  	_ =	shalt  }
0x4c: {  	_ =	shalt  }
0x4d: {  	_ =	shalt  }
0x4e: {  	_ =	shalt  }
0x4f: {  	_ =	shalt  }
0x50: {  	_ =	shalt  }
0x51: {  	_ =	shalt  }
0x52: {  	_ =	shalt  }
0x53: {  	_ =	shalt  }
0x54: {  	_ =	shalt  }
0x55: {  	_ =	shalt  }
0x56: {  	_ =	shalt  }
0x57: {  	_ =	shalt  }
0x58: {  	_ =	shalt  }
0x59: {  	_ =	shalt  }
0x5a: {  	_ =	shalt  }
0x5b: {  	_ =	shalt  }
0x5c: {  	_ =	shalt  }
0x5d: {  	_ =	shalt  }
0x5e: {  	_ =	shalt  }
0x5f: {  	_ =	shalt  }
0x60: {  	_ =	shalt  }
0x61: {  	_ =	shalt  }
0x62: {  	_ =	shalt  }
0x63: {  	_ =	shalt  }
0x64: {  	_ =	shalt  }
0x65: {  	_ =	shalt  }
0x66: {  	_ =	shalt  }
0x67: {  	_ =	shalt  }
0x68: {  	_ =	shalt  }
0x69: {  	_ =	shalt  }
0x6a: {  	_ =	shalt  }
0x6b: {  	_ =	shalt  }
0x6c: {  	_ =	shalt  }
0x6d: {  	_ =	shalt  }
0x6e: {  	_ =	shalt  }
0x6f: {  	_ =	shalt  }
0x70: {  	_ =	shalt  }
0x71: {  	_ =	shalt  }
0x72: {  	_ =	shalt  }
0x73: {  	_ =	shalt  }
0x74: {  	_ =	shalt  }
0x75: {  	_ =	shalt  }
0x76: {  	_ =	shalt  }
0x77: {  	_ =	shalt  }
0x78: {  	_ =	shalt  }
0x79: {  	_ =	shalt  }
0x7a: {  	_ =	shalt  }
0x7b: {  	_ =	shalt  }
0x7c: {  	_ =	shalt  }
0x7d: {  	_ =	shalt  }
0x7e: {  	_ =	shalt  }
0x7f: {  	_ =	shalt  }
0x80: {  	_ =	shalt  }
0x81: {  	_ =	shalt  }
0x82: {  	_ =	shalt  }
0x83: {  	_ =	shalt  }
0x84: {  	_ =	shalt  }
0x85: {  	_ =	shalt  }
0x86: {  	_ =	shalt  }
0x87: {  	_ =	shalt  }
.Lfunc_end0:
.L_simem_size_0:
called_computation_lowered:
.L_overlay_start_0:
0x88: {  	s2 =	sld [smem:$0x3FD9]  }
0x89: {  	s3 =	sld [smem:$0x3FFE];
	_ =	sdelay $0x1  }
0x8a: {  	s1 =	srdreg.scid  }
0x8b: {  	s0 =	sand.u32 $0x1, s1  }
0x8c: {  	s17 =	sshll.u32 s0, $0xA;
	s2 =	sadd.s32 s3, s2  }
0x8d: {  	s2 =	sadd.s32 s2, s17  }
0x8e: {  	[smem:$0x3FC0] =	sst s2  }
0x8f: {  	_ = 	snop  }
0x90: {  	s2 =	sld [smem:$0x3FD0];
	(tm) =	ssettm $0x1  }
0x91: {  	s18 =	sld [smem:$0x3FFB];
	_ =	sdelay $0x3  }
0x92: {  	_ =	strace s18  }
0x93: {  	s3 =	sld [smem:$0x3FFC];
	_ =	sdelay $0x3  }
0x94: {  	_ =	strace s3  }
0x95: {  	s3 =	sld [smem:$0x3FFD];
	_ =	sdelay $0x3  }
0x96: {  	_ =	strace s3  }
0x97: {  	_ =	strace $0x8FFFFFFF  }
0x98: {  	s19 =	sld [smem:$0x3FDB];
	_ =	sdelay $0x1  }
0x99: {  	s4 =	simm.s32 $_scs_section_size  }
0x9a: {  	s5 =	simm.s32 $_size__tile_overlayer_lowered;
	s6 =	simm.s32 $_tile_overlayer_lowered  }
0x9b: {  	s22 =	simm.s32 $0x1BFF;
	s21 =	sshll.u32 s6, $0x1;
	s3 =	sadd.s32 s4, s19  }
0x9c: {  	s7 =	simm.s32 $0x0;
	s20 =	sshll.u32 s5, $0x1;
	s5 =	sadd.s32 s21, s3  }
0x9d: {  	[timem:s7], [sflag:s22] =	dma.local [hbm:s5], s20  }
0x9e: {  	_ =	swait.ge [sflag:s22], s20  }
0x9f: {  	s4 =	ssub.s32 $0x0, s20;
	[sflag:s22] =	ssyncset.done $0x0  }
0xa0: {  	[sflag:s22] =	ssyncadd.s32 s4;
	_ =	sdelay $0x1  }
0xa1: {  	s23 =	simm.s32 $0x1B8B  }
0xa2: {  	_ =	swait.ge [sflag:s23], $0x1  }
0xa3: {  	[sflag:s23] =	ssyncset.done $0x0  }
0xa4: {  	s25 =	simm.s32 $0x1B8E;
	s24 =	sld [smem:$0x3FFE];
	[sflag:s23] =	ssyncadd.s32 $0xFFFFFFFF  }
0xa5: {  	s26 =	simm.s32 $execute0_lowered;
	[smem:$0x3FD2] =	sst s25  }
0xa6: {  	s5 =	sshll.u32 s26, $0x1;
	_ =	strace $0x80000046;
	[dreg:$0x1] =	wrdreg $0xFFFFFFFF  }
0xa7: {  	s28 =	simm.s32 $_size_execute0_lowered;
	s3 =	sadd.s32 s3, s5;
	[dreg:$0x0] =	wrdreg $0x0  }
0xa8: {  	s5 =	sshll.u32 s28, $0x1;
	[dreg:$0x2] =	wrdreg s3  }
0xa9: {  	[dreg:$0x3] =	wrdreg s5  }
0xaa: {  	[dreg:$0x4] =	wrdreg $0xC0  }
0xab: {  	_ =	task [dreg:s7], $0x5FFFF  }
0xac: {  	[dreg:$0x1] =	wrdreg $0xFFFFFFFF  }
0xad: {  	[dreg:$0x0] =	wrdreg $0x60  }
0xae: {  	[dreg:$0x2] =	wrdreg s24  }
0xaf: {  	[dreg:$0x3] =	wrdreg s2  }
0xb0: {  	[dreg:$0x4] =	wrdreg $0x9  }
0xb1: {  	_ =	task.clear_ibuf [dreg:s7], $0x5FFFF;
	_ =	strace $0x90000046  }
0xb2: {  	s29 =	simm.s32 $0x9;
	_ =	strace $0x80000048  }
0xb3: {  	_ =	swait.ge [sflag:s29], $0x1  }
0xb4: {  	[sflag:s29] =	ssyncadd.s32 $0xFFFFFFFF  }
0xb5: {  	_ =	strace $0x90000048  }
0xb6: {  	_ =	sfence  }
0xb7: {  	s30 =	sld [smem:$0x0];
	_ =	sdelay $0x2  }
0xb8: {  	s31 =	sshll.u32 s1, $0xD;
	s1 =	sshrl.u32 s1, $0x2  }
0xb9: {  	s3 =	sand.u32 $0x4000, s31;
	s1 =	sadd.s32 s1, s30  }
0xba: {  	s0 =	sor.u32 s3, s0;
	s1 =	sshll.u32 s1, $0x11  }
0xbb: {  	s0 =	sor.u32 s1, s0  }
0xbc: {  	s0 =	sadd.s32 $0x8F2B, s0  }
0xbd: {  	[sflag:s0] =	ssyncadd.remote.s32 $0x1  }
0xbe: {  	_ =	sfence.sel $0xFFFF  }
0xbf: {  	[dreg:$0x0] =	wrdreg $0xFFFFFFFF;
	(pc) =	sbr.abs _section_cstart, $3  }
0xc0: {  	[dreg:$0x1] =	wrdreg $0xFFFFFFFF  }
0xc1: {  	_ =	task.clear_ibuf [dreg:s7], $0x2FFFF;
	_ =	strace $0x9FFFFFFF  }
0xc2: {  	(tm) =	ssettm $0x7FFFFFFF  }
0xc3: {  	_ =	shalt  }
tec
execute0_lowered:
.L_overlay_start_1:
0x0: {  	(tag) =	ssettag $0x1  }
0x1: {  	s0 =	rddreg [dreg:$0x0]  }
0x2: {  	s1 =	rddreg [dreg:$0x1]  }
0x3: {  	s2 =	srdreg.scid;
	s3 =	stileid.u32;
	s6 =	simm.s32 $0x0  }
0x4: {  	s2 =	sand.u32 $0x1, s2;
	s3 =	sshll.u32 s3, $0x7;
	[smem:$0x7FF] =	sst s6  }
0x5: {  	s21 =	sadd.s32 $0x1400, s0;
	s23 =	sadd.s32 $0x1500, s0;
	s4 =	sshll.u32 s2, $0x6  }
0x6: {  	s2 =	ssub.s32 $0x2, s2;
	_ =	strace $0x80000047;
	[dreg:$0x5] =	wrdreg s21  }
0x7: {  	[dreg:$0x7] =	wrdreg s23;
	s3 =	sor.u32 s4, s3;
	s5 =	sshrl.u32 s2, $0x1  }
.Ltmp0:
0x8: {  	s4 =	sshll.u32 s3, $0x4;
	s30 =	sshll.u32 s3, $0x6;
	(pc) =	sbr.rel .LBB2_1-.Ltmp0, $4  }
0x9: {  	s2 =	ssub.s32 s2, s5;
	s4 =	sadd.s32 s4, s0;
	s0 =	sadd.s32 s1, s30  }
0xa: {  	v2 =	vlaneseq.u32;
	s31 =	smax.u32 s2, $0x1;
	[dreg:$0x8] =	wrdreg s0  }
0xb: {  	vm0 =	vmmov $0xffff;
	v1 =	vshrl.u32 v2, $0x3;
	s4 =	sadd.s32 $0x81400, s4;
	[dreg:$0x9] =	wrdreg s31  }
0xc: {  	v0 =	vand.u32 $0x7, v2;
	v2 =	vor.u32 $0x8, v2;
	v1 =	vmul.u32 $0x8, v1;
	s1 =	simm.s32 $0x3;
	s2 =	simm.s32 $0x0;
	[dreg:$0x6] =	wrdreg s4  }
.LBB2_8:
0xd: {  	s6 =	simm.s32 $0x0;
	s0 =	rddreg [dreg:$0x8];
	s1 =	simm.s32 $0x6000  }
0xe: {  	[hbm4b:s0+s6] =	stream.linear.scatter [tilespmem:s1], [sflag:$0x3], $0x8000, $0x38;
	[tilespmem:$0xE000] =	vst v63  }
0xf: {  	s1 =	simm.s32 $0x3  }
0x10: {  	_ =	swait.ge [sflag:s1], $0x8000  }
0x11: {  	s2 =	rddreg [dreg:$0xa]  }
0x12: {  	s31 =	rddreg [dreg:$0x9];
	s2 =	sadd.s32 $0x1, s2  }
0x13: {  	p0 =	sne.s32 s2, s31  }
.Ltmp1:
0x14: {  	_ = 	snop;
	(pc) =	sbr.rel @!p0 .LBB2_9-.Ltmp1, $3  }
0x15: {  	_ =	sdelay $0x1  }
0x16: {  	[sflag:s1] =	ssyncset.done $0x0;
	s21 =	rddreg [dreg:$0x5]  }
0x17: {  	s23 =	rddreg [dreg:$0x7];
	[sflag:s1] =	ssyncadd.s32 $0xFFFF8000  }
.LBB2_1:
0x18: {  	[dreg:$0xa] =	wrdreg s2  }
0x19: {  	s0 =	rddreg [dreg:$0x6]  }
0x1a: {  	[tilespmem:s6], [sflag:$0x3] =	stream.linear.gather [hbm4b:s0+s6], $0x2000, $0x38;
	[tilespmem:$0xE000] =	vst v63  }
0x1b: {  	_ =	swait.ge [sflag:s1], $0x2000  }
0x1c: {  	[sflag:s1] =	ssyncset.done $0x0  }
0x1d: {  	[sflag:s1] =	ssyncadd.s32 $0xFFFFE000  }
0x1e: {  	v3 =	vld [tilespmem:$0x0];
	_ =	sdelay $0x4  }
0x1f: {  	v4 =	vshll.u32 v3, $0x2  }
0x20: {  	v3 =	vand.u32 $0x7, v3;
	v4 =	vand.u32 $0xFFFFFFE0, v4  }
0x21: {  	v3 =	vor.u32 v3, v4  }
0x22: {  	v4 =	vperm.xlane v3, v0;
	_ =	sdelay $0x1  }
0x23: {  	v4 =	vadd.s32 v1, v4;
	_ =	sdelay $0x1  }
0x24: {  	v3 =	vperm.xlane v3, v2;
	_ =	sdelay $0x1  }
0x25: {  	s22 =	simm.s32 $0x2000;
	v3 =	vadd.s32 v1, v3  }
0x26: {  	[tilespmem:s22], [sflag:$0x1] =	stream.indirect_vreg.gather [hbm4b:s21+s6], $0x80, v4, vm0, $0xb8;
	[tilespmem:$0xE000] =	vst v63  }
0x27: {  	s24 =	simm.s32 $0x2800  }
0x28: {  	[tilespmem:s24], [sflag:$0x1] =	stream.indirect_vreg.gather [hbm4b:s23+s6], $0x80, v4, vm0, $0xb8;
	[tilespmem:$0xE000] =	vst v63  }
0x29: {  	s25 =	simm.s32 $0x3000  }
0x2a: {  	[tilespmem:s25], [sflag:$0x1] =	stream.indirect_vreg.gather [hbm4b:s21+s6], $0x80, v3, vm0, $0xb8;
	[tilespmem:$0xE000] =	vst v63  }
0x2b: {  	s26 =	simm.s32 $0x3800  }
0x2c: {  	[tilespmem:s26], [sflag:$0x1] =	stream.indirect_vreg.gather [hbm4b:s23+s6], $0x80, v3, vm0, $0xb8;
	[tilespmem:$0xE000] =	vst v63  }
0x2d: {  	v3 =	vld [tilespmem:$0x80];
	_ =	sdelay $0x4  }
0x2e: {  	v63 =	vshll.u32 v3, $0x2  }
0x2f: {  	v3 =	vand.u32 $0x7, v3;
	v4 =	vand.u32 $0xFFFFFFE0, v63  }
0x30: {  	v3 =	vor.u32 v3, v4  }
0x31: {  	v4 =	vperm.xlane v3, v0;
	_ =	sdelay $0x1  }
0x32: {  	v4 =	vadd.s32 v1, v4;
	_ =	sdelay $0x1  }
0x33: {  	v3 =	vperm.xlane v3, v2;
	_ =	sdelay $0x1  }
0x34: {  	s28 =	simm.s32 $0x4000;
	v3 =	vadd.s32 v1, v3  }
0x35: {  	[tilespmem:s28], [sflag:$0x2] =	stream.indirect_vreg.gather [hbm4b:s21+s6], $0x80, v4, vm0, $0xb8;
	[tilespmem:$0xE000] =	vst v63  }
0x36: {  	s29 =	simm.s32 $0x4800  }
0x37: {  	[tilespmem:s29], [sflag:$0x2] =	stream.indirect_vreg.gather [hbm4b:s23+s6], $0x80, v4, vm0, $0xb8;
	[tilespmem:$0xE000] =	vst v63  }
0x38: {  	s30 =	simm.s32 $0x5000  }
0x39: {  	[tilespmem:s30], [sflag:$0x2] =	stream.indirect_vreg.gather [hbm4b:s21+s6], $0x80, v3, vm0, $0xb8;
	[tilespmem:$0xE000] =	vst v63  }
0x3a: {  	s31 =	simm.s32 $0x5800;
	s5 =	simm.s32 $0x0  }
0x3b: {  	[tilespmem:s31], [sflag:$0x2] =	stream.indirect_vreg.gather [hbm4b:s23+s6], $0x80, v3, vm0, $0xb8;
	[tilespmem:$0xE000] =	vst v63  }
.LBB2_2:
0x3c: {  	s24 =	simm.s32 $0x0;
	s0 =	simm.s32 $0x1  }
0x3d: {  	_ =	swait.ge [sflag:s0], $0x2000;
	s19 =	sand.u32 $0xC00, s24  }
0x3e: {  	s9 =	sand.u32 $0x60, s24;
	[sflag:s0] =	ssyncset.done $0x0;
	s1 =	sor.u32 $0x2000, s19  }
0x3f: {  	[sflag:s0] =	ssyncadd.s32 $0xFFFFE000;
	s13 =	sor.u32 s9, s1  }
0x40: {  	v3 =	vld [tilespmem:s13+$0x0]  }
0x41: {  	v4 =	vld [tilespmem:s13+$0x80]  }
0x42: {  	s2 =	sand.u32 $0x3, s24;
	v5 =	vld [tilespmem:s13+$0x100]  }
0x43: {  	s2 =	sshll.u32 s2, $0x5;
	v6 =	vld [tilespmem:s13+$0x180]  }
0x44: {  	s26 =	sadd.s32 $0x0, s2;
	v7 =	vld [tilespmem:s13+$0x200]  }
0x45: {  	s15 =	sor.u32 s24, s24;
	v8 =	vld [tilespmem:s13+$0x280];
	s14 =	sor.u32 $0x300, s26  }
0x46: {  	s4 =	sor.u32 $0x3000, s19;
	s16 =	sor.u32 $0x380, s15;
	v10 =	vld [tilespmem:s14+$0x2000];
	v9 =	vand.u32 $0xFFFF, v3;
	v3 =	vmax.u32 v3, v4;
	v4 =	vand.u32 $0xFFFF, v4  }
0x47: {  	s10 =	sor.u32 $0x3080, s19;
	s17 =	sor.u32 s9, s4;
	v4 =	vmax.u32 v9, v4;
	v3 =	vmax.u32 v3, v5;
	v5 =	vand.u32 $0xFFFF, v5;
	v9 =	vld [tilespmem:s16+$0x2000]  }
0x48: {  	s11 =	sor.u32 $0x3100, s19;
	s18 =	sor.u32 s9, s10;
	v4 =	vmax.u32 v4, v5;
	v3 =	vmax.u32 v3, v6;
	v5 =	vand.u32 $0xFFFF, v6;
	v6 =	vld [tilespmem:s17+$0x0]  }
0x49: {  	s12 =	sor.u32 $0x3180, s19;
	s20 =	sor.u32 s9, s11;
	v4 =	vmax.u32 v4, v5;
	v3 =	vmax.u32 v3, v7;
	v5 =	vand.u32 $0xFFFF, v7;
	v7 =	vld [tilespmem:s18+$0x0]  }
0x4a: {  	s25 =	sor.u32 $0x3200, s19;
	s22 =	sor.u32 s9, s12;
	v4 =	vmax.u32 v4, v5;
	v3 =	vmax.u32 v3, v8;
	v5 =	vand.u32 $0xFFFF, v8;
	v8 =	vld [tilespmem:s20+$0x0]  }
0x4b: {  	s6 =	sor.u32 $0x3280, s19;
	s30 =	sor.u32 s9, s25;
	v4 =	vmax.u32 v4, v5;
	v3 =	vmax.u32 v3, v10;
	v5 =	vand.u32 $0xFFFF, v10;
	v10 =	vld [tilespmem:s22+$0x0]  }
0x4c: {  	s7 =	sor.u32 $0x3300, s19;
	s3 =	sor.u32 s9, s6;
	v4 =	vmax.u32 v4, v5;
	v3 =	vmax.u32 v3, v9;
	v5 =	vand.u32 $0xFFFF, v9;
	v9 =	vld [tilespmem:s30+$0x0]  }
0x4d: {  	s31 =	sor.u32 s9, s7;
	s0 =	sor.u32 $0x3380, s19;
	v4 =	vmax.u32 v4, v5;
	v3 =	vmax.u32 v3, v6;
	v5 =	vand.u32 $0xFFFF, v6;
	v6 =	vld [tilespmem:s3+$0x0]  }
0x4e: {  	s8 =	sor.u32 s9, s0;
	v4 =	vmax.u32 v4, v5;
	v3 =	vmax.u32 v3, v7;
	v5 =	vand.u32 $0xFFFF, v7;
	v7 =	vld [tilespmem:s31+$0x0]  }
0x4f: {  	v4 =	vmax.u32 v4, v5;
	v3 =	vmax.u32 v3, v8;
	v5 =	vand.u32 $0xFFFF, v8;
	v8 =	vld [tilespmem:s8+$0x0]  }
0x50: {  	v4 =	vmax.u32 v4, v5;
	v3 =	vmax.u32 v3, v10;
	v5 =	vand.u32 $0xFFFF, v10  }
0x51: {  	s13 =	sshll.u32 s5, $0xA;
	s14 =	sshll.u32 s5, $0x8;
	v4 =	vmax.u32 v4, v5;
	v3 =	vmax.u32 v3, v9;
	v5 =	vand.u32 $0xFFFF, v9  }
0x52: {  	s2 =	sand.u32 $0x300, s14;
	s3 =	sand.u32 $0x7000, s13;
	v4 =	vmax.u32 v4, v5;
	v3 =	vmax.u32 v3, v6;
	v5 =	vand.u32 $0xFFFF, v6  }
0x53: {  	s2 =	sor.u32 s2, s3;
	v4 =	vmax.u32 v4, v5;
	v3 =	vmax.u32 v3, v7;
	v5 =	vand.u32 $0xFFFF, v7  }
0x54: {  	s2 =	sadd.s32 $0x6000, s2;
	v4 =	vmax.u32 v4, v5;
	v3 =	vmax.u32 v3, v8;
	v5 =	vand.u32 $0xFFFF, v8  }
0x55: {  	s8 =	sadd.s32 s19, s2;
	v4 =	vmax.u32 v4, v5;
	v3 =	vand.u32 $0xFFFF0000, v3  }
0x56: {  	[dreg:$0x3] =	wrdreg s2;
	s2 =	sadd.s32 s9, s8;
	s9 =	sor.u32 $0x10, s9;
	v3 =	vor.u32 v4, v3  }
0x57: {  	s1 =	sor.u32 s9, s1;
	[tilespmem:s2+$0x0] =	vst v3  }
0x58: {  	v3 =	vld [tilespmem:s1+$0x0]  }
0x59: {  	v4 =	vld [tilespmem:s1+$0x80]  }
0x5a: {  	v5 =	vld [tilespmem:s1+$0x100]  }
0x5b: {  	v6 =	vld [tilespmem:s1+$0x180]  }
0x5c: {  	s15 =	sadd.s32 $0x10, s26;
	v7 =	vld [tilespmem:s1+$0x200]  }
0x5d: {  	s16 =	sor.u32 $0x300, s15;
	v8 =	vld [tilespmem:s1+$0x280]  }
0x5e: {  	s17 =	sor.u32 $0x380, s15;
	v9 =	vld [tilespmem:s16+$0x2000];
	v10 =	vand.u32 $0xFFFF, v3  }
0x5f: {  	s18 =	sor.u32 s9, s4;
	v12 =	vld [tilespmem:s17+$0x2000];
	v11 =	vand.u32 $0xFFFF, v4;
	v3 =	vmax.u32 v3, v4;
	v4 =	vand.u32 $0xFFFF, v5  }
0x60: {  	s19 =	sor.u32 s9, s10;
	v10 =	vmax.u32 v10, v11;
	v11 =	vld [tilespmem:s18+$0x0];
	v3 =	vmax.u32 v3, v5;
	v5 =	vand.u32 $0xFFFF, v6  }
0x61: {  	s20 =	sor.u32 s9, s11;
	v4 =	vmax.u32 v10, v4;
	v10 =	vld [tilespmem:s19+$0x0];
	v3 =	vmax.u32 v3, v6;
	v6 =	vand.u32 $0xFFFF, v7  }
0x62: {  	s22 =	sor.u32 s9, s12;
	v4 =	vmax.u32 v4, v5;
	v5 =	vld [tilespmem:s20+$0x0];
	v3 =	vmax.u32 v3, v7;
	v7 =	vand.u32 $0xFFFF, v8  }
0x63: {  	s26 =	sor.u32 s9, s25;
	v4 =	vmax.u32 v4, v6;
	v6 =	vld [tilespmem:s22+$0x0];
	v3 =	vmax.u32 v3, v8;
	v8 =	vand.u32 $0xFFFF, v9  }
0x64: {  	s30 =	sor.u32 s9, s6;
	v4 =	vmax.u32 v4, v7;
	v7 =	vld [tilespmem:s26+$0x0];
	v3 =	vmax.u32 v3, v9;
	v9 =	vand.u32 $0xFFFF, v12  }
0x65: {  	s31 =	sor.u32 s9, s7;
	v4 =	vmax.u32 v4, v8;
	v8 =	vld [tilespmem:s30+$0x0];
	v3 =	vmax.u32 v3, v12;
	v63 =	vand.u32 $0xFFFF, v11  }
0x66: {  	v4 =	vmax.u32 v4, v9;
	v9 =	vmax.u32 v3, v11;
	v11 =	vand.u32 $0xFFFF, v10;
	v3 =	vld [tilespmem:s31+$0x0]  }
0x67: {  	v4 =	vmax.u32 v4, v63;
	v9 =	vmax.u32 v9, v10;
	v10 =	vand.u32 $0xFFFF, v5  }
0x68: {  	v4 =	vmax.u32 v4, v11;
	v5 =	vmax.u32 v9, v5;
	v9 =	vand.u32 $0xFFFF, v6  }
0x69: {  	[dreg:$0xb] =	wrdreg s5;
	v4 =	vmax.u32 v4, v10;
	v5 =	vmax.u32 v5, v6;
	v10 =	vand.u32 $0xFFFF, v7  }
0x6a: {  	s28 =	simm.s32 $0x0;
	[dreg:$0xc] =	wrdreg s13;
	s0 =	sor.u32 s9, s0;
	v9 =	vmax.u32 v4, v9;
	v5 =	vmax.u32 v5, v7;
	v6 =	vand.u32 $0xFFFF, v8  }
0x6b: {  	s25 =	simm.s32 $0x0;
	s29 =	sadd.s32 s9, s8;
	s26 =	simm.s32 $0x20;
	v4 =	vld [tilespmem:s0+$0x0];
	v7 =	vmax.u32 v9, v10;
	v8 =	vmax.u32 v5, v8;
	v5 =	vand.u32 $0xFFFF, v3  }
.LBB2_3:
0x6c: {  	_ =	sdelay $0x2  }
0x6d: {  	v6 =	vmax.u32 v7, v6;
	v3 =	vmax.u32 v8, v3  }
0x6e: {  	s24 =	sadd.s32 $0x100, s24;
	v5 =	vmax.u32 v6, v5;
	v7 =	vand.u32 $0xFFFF, v4;
	v3 =	vmax.u32 v3, v4  }
0x6f: {  	s0 =	sand.u32 $0xC00, s24;
	v4 =	vmax.u32 v5, v7;
	v3 =	vand.u32 $0xFFFF0000, v3  }
0x70: {  	s1 =	sand.u32 $0x60, s26;
	s30 =	sor.u32 $0x2000, s0;
	v3 =	vor.u32 v4, v3  }
0x71: {  	s4 =	sor.u32 s1, s30;
	[tilespmem:s29+$0x0] =	vst v3  }
0x72: {  	v3 =	vld [tilespmem:s4+$0x0]  }
0x73: {  	s28 =	sadd.s32 $0x1, s28;
	v4 =	vld [tilespmem:s4+$0x80]  }
0x74: {  	s6 =	sand.u32 $0x3, s28;
	v5 =	vld [tilespmem:s4+$0x100]  }
0x75: {  	s6 =	sshll.u32 s6, $0x5;
	v6 =	vld [tilespmem:s4+$0x180]  }
0x76: {  	s7 =	rddreg [dreg:$0x3];
	s19 =	sadd.s32 s6, s24;
	v7 =	vld [tilespmem:s4+$0x200]  }
0x77: {  	s12 =	sor.u32 s24, s26;
	s22 =	sadd.s32 s0, s7;
	s7 =	sor.u32 $0x300, s19;
	v8 =	vld [tilespmem:s4+$0x280]  }
0x78: {  	s3 =	sor.u32 $0x3000, s0;
	v10 =	vld [tilespmem:s7+$0x2000];
	s4 =	sor.u32 $0x380, s12;
	v9 =	vand.u32 $0xFFFF, v3;
	v3 =	vmax.u32 v3, v4;
	v4 =	vand.u32 $0xFFFF, v4  }
0x79: {  	s10 =	sor.u32 $0x3080, s0;
	s9 =	sor.u32 s1, s3;
	v4 =	vmax.u32 v9, v4;
	v3 =	vmax.u32 v3, v5;
	v5 =	vand.u32 $0xFFFF, v5;
	v9 =	vld [tilespmem:s4+$0x2000]  }
0x7a: {  	s11 =	sor.u32 $0x3100, s0;
	s16 =	sor.u32 s1, s10;
	v4 =	vmax.u32 v4, v5;
	v3 =	vmax.u32 v3, v6;
	v5 =	vand.u32 $0xFFFF, v6;
	v6 =	vld [tilespmem:s9+$0x0]  }
0x7b: {  	s17 =	sor.u32 $0x3180, s0;
	s2 =	sor.u32 s1, s11;
	v4 =	vmax.u32 v4, v5;
	v3 =	vmax.u32 v3, v7;
	v5 =	vand.u32 $0xFFFF, v7;
	v7 =	vld [tilespmem:s16+$0x0]  }
0x7c: {  	s18 =	sor.u32 $0x3200, s0;
	s14 =	sor.u32 s1, s17;
	v4 =	vmax.u32 v4, v5;
	v3 =	vmax.u32 v3, v8;
	v5 =	vand.u32 $0xFFFF, v8;
	v8 =	vld [tilespmem:s2+$0x0]  }
0x7d: {  	s13 =	sor.u32 s1, s18;
	s29 =	sor.u32 $0x3280, s0;
	v4 =	vmax.u32 v4, v5;
	v3 =	vmax.u32 v3, v10;
	v5 =	vand.u32 $0xFFFF, v10;
	v10 =	vld [tilespmem:s14+$0x0]  }
0x7e: {  	s31 =	sor.u32 $0x3300, s0;
	s20 =	sor.u32 s1, s29;
	v4 =	vmax.u32 v4, v5;
	v3 =	vmax.u32 v3, v9;
	v5 =	vand.u32 $0xFFFF, v9;
	v9 =	vld [tilespmem:s13+$0x0]  }
0x7f: {  	s5 =	sor.u32 $0x3380, s0;
	s8 =	sor.u32 s1, s31;
	v4 =	vmax.u32 v4, v5;
	v3 =	vmax.u32 v3, v6;
	v5 =	vand.u32 $0xFFFF, v6;
	v6 =	vld [tilespmem:s20+$0x0]  }
0x80: {  	s15 =	sor.u32 s1, s5;
	v4 =	vmax.u32 v4, v5;
	v3 =	vmax.u32 v3, v7;
	v5 =	vand.u32 $0xFFFF, v7;
	v7 =	vld [tilespmem:s8+$0x0]  }
0x81: {  	v4 =	vmax.u32 v4, v5;
	v3 =	vmax.u32 v3, v8;
	v5 =	vand.u32 $0xFFFF, v8;
	v8 =	vld [tilespmem:s15+$0x0]  }
0x82: {  	v4 =	vmax.u32 v4, v5;
	v3 =	vmax.u32 v3, v10;
	v5 =	vand.u32 $0xFFFF, v10  }
0x83: {  	v4 =	vmax.u32 v4, v5;
	v3 =	vmax.u32 v3, v9;
	v5 =	vand.u32 $0xFFFF, v9  }
0x84: {  	v4 =	vmax.u32 v4, v5;
	v3 =	vmax.u32 v3, v6;
	v5 =	vand.u32 $0xFFFF, v6  }
0x85: {  	v4 =	vmax.u32 v4, v5;
	v3 =	vmax.u32 v3, v7;
	v5 =	vand.u32 $0xFFFF, v7  }
0x86: {  	v4 =	vmax.u32 v4, v5;
	v3 =	vmax.u32 v3, v8;
	v5 =	vand.u32 $0xFFFF, v8  }
0x87: {  	v4 =	vmax.u32 v4, v5;
	v3 =	vand.u32 $0xFFFF0000, v3  }
0x88: {  	s6 =	sadd.s32 s1, s22;
	s7 =	sor.u32 $0x10, s1;
	v3 =	vor.u32 v4, v3  }
0x89: {  	s20 =	sor.u32 s7, s30;
	[tilespmem:s6+$0x0] =	vst v3  }
0x8a: {  	v3 =	vld [tilespmem:s20+$0x100]  }
0x8b: {  	v4 =	vld [tilespmem:s20+$0x0]  }
0x8c: {  	v5 =	vld [tilespmem:s20+$0x80]  }
0x8d: {  	v6 =	vld [tilespmem:s20+$0x180]  }
0x8e: {  	s19 =	sadd.s32 $0x10, s19;
	s0 =	sor.u32 s7, s17;
	v7 =	vld [tilespmem:s20+$0x200]  }
0x8f: {  	s17 =	sor.u32 s7, s29;
	s29 =	sadd.s32 s7, s22;
	s22 =	sor.u32 $0x300, s19;
	v8 =	vld [tilespmem:s20+$0x280]  }
0x90: {  	s30 =	sor.u32 $0x380, s19;
	v10 =	vld [tilespmem:s22+$0x2000];
	v9 =	vand.u32 $0xFFFF, v4  }
0x91: {  	s4 =	sor.u32 s7, s3;
	v12 =	vld [tilespmem:s30+$0x2000];
	v4 =	vmax.u32 v4, v5;
	v5 =	vand.u32 $0xFFFF, v5;
	v11 =	vand.u32 $0xFFFF, v3  }
0x92: {  	s12 =	sor.u32 s7, s10;
	v5 =	vmax.u32 v9, v5;
	v3 =	vmax.u32 v4, v3;
	v4 =	vand.u32 $0xFFFF, v6;
	v9 =	vld [tilespmem:s4+$0x0]  }
0x93: {  	s11 =	sor.u32 s7, s11;
	v5 =	vmax.u32 v5, v11;
	v3 =	vmax.u32 v3, v6;
	v6 =	vand.u32 $0xFFFF, v7;
	v11 =	vld [tilespmem:s12+$0x0]  }
0x94: {  	v4 =	vmax.u32 v5, v4;
	v3 =	vmax.u32 v3, v7;
	v5 =	vand.u32 $0xFFFF, v8;
	v7 =	vld [tilespmem:s11+$0x0]  }
0x95: {  	s3 =	sor.u32 s7, s18;
	v4 =	vmax.u32 v4, v6;
	v3 =	vmax.u32 v3, v8;
	v6 =	vand.u32 $0xFFFF, v10;
	v8 =	vld [tilespmem:s0+$0x0]  }
0x96: {  	v4 =	vmax.u32 v4, v5;
	v3 =	vmax.u32 v3, v10;
	v5 =	vand.u32 $0xFFFF, v12;
	v10 =	vld [tilespmem:s3+$0x0]  }
0x97: {  	s25 =	sadd.s32 $0x2, s25;
	s1 =	sor.u32 s7, s31;
	v63 =	vld [tilespmem:s17+$0x0];
	v4 =	vmax.u32 v4, v6;
	v3 =	vmax.u32 v3, v12;
	v6 =	vand.u32 $0xFFFF, v9  }
0x98: {  	p0 =	slt.u32 s25, $0x1E;
	v4 =	vmax.u32 v4, v5;
	v5 =	vmax.u32 v3, v9;
	v9 =	vand.u32 $0xFFFF, v11;
	v3 =	vld [tilespmem:s1+$0x0]  }
.Ltmp2:
0x99: {  	v6 =	vmax.u32 v4, v6;
	v5 =	vmax.u32 v5, v11;
	v11 =	vand.u32 $0xFFFF, v7;
	(pc) =	sbr.rel @p0 .LBB2_3-.Ltmp2, $4  }
0x9a: {  	v6 =	vmax.u32 v6, v9;
	v5 =	vmax.u32 v5, v7;
	v7 =	vand.u32 $0xFFFF, v8  }
0x9b: {  	v6 =	vmax.u32 v6, v11;
	v5 =	vmax.u32 v5, v8;
	v8 =	vand.u32 $0xFFFF, v10  }
0x9c: {  	s18 =	sor.u32 s7, s5;
	v7 =	vmax.u32 v6, v7;
	v5 =	vmax.u32 v5, v10;
	v6 =	vand.u32 $0xFFFF, v63  }
0x9d: {  	s26 =	sadd.s32 $0x20, s26;
	v4 =	vld [tilespmem:s18+$0x0];
	v7 =	vmax.u32 v7, v8;
	v8 =	vmax.u32 v5, v63;
	v5 =	vand.u32 $0xFFFF, v3  }
0x9e: {  	_ =	sdelay $0x2  }
0x9f: {  	v6 =	vmax.u32 v7, v6;
	v3 =	vmax.u32 v8, v3  }
0xa0: {  	v5 =	vmax.u32 v6, v5;
	v7 =	vand.u32 $0xFFFF, v4;
	v3 =	vmax.u32 v3, v4  }
0xa1: {  	s0 =	rddreg [dreg:$0xb];
	v4 =	vmax.u32 v5, v7;
	v3 =	vand.u32 $0xFFFF0000, v3  }
0xa2: {  	p0 =	seq.s32 s0, $0x1F;
	s0 =	rddreg [dreg:$0xc];
	v3 =	vor.u32 v4, v3  }
0xa3: {  	s0 =	sshrl.u32 @!p0 s0, $0x2;
	[tilespmem:s29+$0x0] =	vst v3  }
0xa4: {  	v3 =	vld @!p0 [tilespmem:s0+$0x100];
	_ =	sdelay $0x4  }
0xa5: {  	v4 =	vshll.u32 @!p0 v3, $0x2  }
0xa6: {  	v5 =	vlaneseq.u32 @!p0;
	v3 =	vand.u32 @!p0 $0x7, v3;
	v4 =	vand.u32 @!p0 $0xFFFFFFE0, v4  }
0xa7: {  	v6 =	vshrl.u32 @!p0 v5, $0x3;
	v3 =	vor.u32 @!p0 v3, v4;
	v4 =	vand.u32 @!p0 $0x7, v5  }
0xa8: {  	v6 =	vmul.u32 @!p0 $0x8, v6;
	v4 =	vperm.xlane @!p0 v3, v4;
	_ =	sdelay $0x1  }
0xa9: {  	v4 =	vadd.s32 @!p0 v6, v4  }
0xaa: {  	v5 =	vor.u32 @!p0 $0x8, v5  }
0xab: {  	v3 =	vperm.xlane @!p0 v3, v5;
	_ =	sdelay $0x1  }
0xac: {  	vm1 =	vmmov @!p0 $0xffff;
	s1 =	simm.s32 @!p0 $0x2000;
	s0 =	simm.s32 @!p0 $0x0;
	v3 =	vadd.s32 @!p0 v6, v3  }
0xad: {  	[tilespmem:s1], [sflag:$0x1] =	stream.indirect_vreg.gather @!p0 [hbm4b:s21+s0], $0x80, v4, vm1, $0xb8;
	[tilespmem:$0xE000] =	vst v63  }
0xae: {  	s1 =	simm.s32 @!p0 $0x2800  }
0xaf: {  	[tilespmem:s1], [sflag:$0x1] =	stream.indirect_vreg.gather @!p0 [hbm4b:s23+s0], $0x80, v4, vm1, $0xb8;
	[tilespmem:$0xE000] =	vst v63  }
0xb0: {  	s1 =	simm.s32 @!p0 $0x3000  }
0xb1: {  	[tilespmem:s1], [sflag:$0x1] =	stream.indirect_vreg.gather @!p0 [hbm4b:s21+s0], $0x80, v3, vm1, $0xb8;
	[tilespmem:$0xE000] =	vst v63  }
0xb2: {  	s5 =	simm.s32 $0x0;
	s4 =	simm.s32 $0x2;
	s1 =	simm.s32 @!p0 $0x3800  }
0xb3: {  	[tilespmem:s1], [sflag:$0x1] =	stream.indirect_vreg.gather @!p0 [hbm4b:s23+s0], $0x80, v3, vm1, $0xb8;
	[tilespmem:$0xE000] =	vst v63  }
0xb4: {  	s6 =	sand.u32 $0xC00, s5;
	_ =	swait.ge [sflag:s4], $0x2000  }
0xb5: {  	s9 =	sand.u32 $0x60, s5;
	s0 =	sor.u32 $0x4000, s6;
	[sflag:s4] =	ssyncset.done $0x0  }
0xb6: {  	s1 =	sor.u32 $0x4080, s6;
	s2 =	sor.u32 s9, s0;
	[sflag:s4] =	ssyncadd.s32 $0xFFFFE000  }
0xb7: {  	s3 =	sor.u32 s9, s1;
	s4 =	sor.u32 $0x4100, s6;
	v3 =	vld [tilespmem:s2+$0x0]  }
0xb8: {  	s10 =	sor.u32 $0x4180, s6;
	s7 =	sor.u32 s9, s4;
	v4 =	vld [tilespmem:s3+$0x0]  }
0xb9: {  	s11 =	sor.u32 $0x4200, s6;
	s8 =	sor.u32 s9, s10;
	v5 =	vld [tilespmem:s7+$0x0]  }
0xba: {  	s19 =	sor.u32 $0x4280, s6;
	s12 =	sor.u32 s9, s11;
	v6 =	vld [tilespmem:s8+$0x0]  }
0xbb: {  	s26 =	sor.u32 $0x4300, s6;
	s13 =	sor.u32 s9, s19;
	v7 =	vld [tilespmem:s12+$0x0]  }
0xbc: {  	s28 =	sor.u32 $0x4380, s6;
	s14 =	sor.u32 s9, s26;
	v8 =	vld [tilespmem:s13+$0x0]  }
0xbd: {  	s25 =	sor.u32 $0x5000, s6;
	s15 =	sor.u32 s9, s28;
	v10 =	vld [tilespmem:s14+$0x0];
	v9 =	vand.u32 $0xFFFF, v3;
	v3 =	vmax.u32 v3, v4;
	v4 =	vand.u32 $0xFFFF, v4  }
0xbe: {  	s16 =	sor.u32 s9, s25;
	s29 =	sor.u32 $0x5080, s6;
	v4 =	vmax.u32 v9, v4;
	v3 =	vmax.u32 v3, v5;
	v5 =	vand.u32 $0xFFFF, v5;
	v9 =	vld [tilespmem:s15+$0x0]  }
0xbf: {  	s30 =	sor.u32 $0x5100, s6;
	s17 =	sor.u32 s9, s29;
	v4 =	vmax.u32 v4, v5;
	v3 =	vmax.u32 v3, v6;
	v5 =	vand.u32 $0xFFFF, v6;
	v6 =	vld [tilespmem:s16+$0x0]  }
0xc0: {  	s31 =	sor.u32 $0x5180, s6;
	s18 =	sor.u32 s9, s30;
	v4 =	vmax.u32 v4, v5;
	v3 =	vmax.u32 v3, v7;
	v5 =	vand.u32 $0xFFFF, v7;
	v7 =	vld [tilespmem:s17+$0x0]  }
0xc1: {  	s20 =	sor.u32 s9, s31;
	s7 =	sor.u32 $0x5200, s6;
	v4 =	vmax.u32 v4, v5;
	v3 =	vmax.u32 v3, v8;
	v5 =	vand.u32 $0xFFFF, v8;
	v8 =	vld [tilespmem:s18+$0x0]  }
0xc2: {  	s8 =	sor.u32 $0x5280, s6;
	s21 =	sor.u32 s9, s7;
	v4 =	vmax.u32 v4, v5;
	v3 =	vmax.u32 v3, v10;
	v5 =	vand.u32 $0xFFFF, v10;
	v10 =	vld [tilespmem:s20+$0x0]  }
0xc3: {  	s22 =	sor.u32 s9, s8;
	s20 =	sor.u32 $0x5300, s6;
	v4 =	vmax.u32 v4, v5;
	v3 =	vmax.u32 v3, v9;
	v5 =	vand.u32 $0xFFFF, v9;
	v9 =	vld [tilespmem:s21+$0x0]  }
0xc4: {  	s12 =	sor.u32 $0x5380, s6;
	v11 =	vld [tilespmem:s22+$0x0];
	s23 =	sor.u32 s9, s20;
	v4 =	vmax.u32 v4, v5;
	v3 =	vmax.u32 v3, v6;
	v5 =	vand.u32 $0xFFFF, v6  }
0xc5: {  	s24 =	sor.u32 s9, s12;
	v6 =	vld [tilespmem:s23+$0x0];
	v4 =	vmax.u32 v4, v5;
	v3 =	vmax.u32 v3, v7;
	v5 =	vand.u32 $0xFFFF, v7  }
0xc6: {  	v7 =	vld [tilespmem:s24+$0x0];
	v4 =	vmax.u32 v4, v5;
	v3 =	vmax.u32 v3, v8;
	v5 =	vand.u32 $0xFFFF, v8  }
0xc7: {  	v4 =	vmax.u32 v4, v5;
	v3 =	vmax.u32 v3, v10;
	v5 =	vand.u32 $0xFFFF, v10  }
0xc8: {  	v4 =	vmax.u32 v4, v5;
	v3 =	vmax.u32 v3, v9;
	v5 =	vand.u32 $0xFFFF, v9  }
0xc9: {  	v4 =	vmax.u32 v4, v5;
	v3 =	vmax.u32 v3, v11;
	v5 =	vand.u32 $0xFFFF, v11  }
0xca: {  	s3 =	rddreg [dreg:$0x3];
	v4 =	vmax.u32 v4, v5;
	v3 =	vmax.u32 v3, v6;
	v5 =	vand.u32 $0xFFFF, v6  }
0xcb: {  	s2 =	sadd.s32 s6, s3;
	v4 =	vmax.u32 v4, v5;
	v3 =	vmax.u32 v3, v7;
	v5 =	vand.u32 $0xFFFF, v7  }
0xcc: {  	s6 =	sadd.s32 $0x80, s2;
	v4 =	vmax.u32 v4, v5;
	v3 =	vand.u32 $0xFFFF0000, v3  }
0xcd: {  	s13 =	sor.u32 $0x10, s9;
	s2 =	sadd.s32 s9, s6;
	v3 =	vor.u32 v4, v3  }
0xce: {  	s0 =	sor.u32 s13, s0;
	[tilespmem:s2+$0x0] =	vst v3  }
0xcf: {  	s9 =	sor.u32 s13, s1;
	v3 =	vld [tilespmem:s0+$0x0]  }
0xd0: {  	s14 =	sor.u32 s13, s4;
	v4 =	vld [tilespmem:s9+$0x0]  }
0xd1: {  	s15 =	sor.u32 s13, s10;
	v5 =	vld [tilespmem:s14+$0x0]  }
0xd2: {  	s16 =	sor.u32 s13, s11;
	v6 =	vld [tilespmem:s15+$0x0]  }
0xd3: {  	s17 =	sor.u32 s13, s19;
	v7 =	vld [tilespmem:s16+$0x0]  }
0xd4: {  	s18 =	sor.u32 s13, s26;
	v8 =	vld [tilespmem:s17+$0x0]  }
0xd5: {  	s19 =	sor.u32 s13, s28;
	v9 =	vld [tilespmem:s18+$0x0];
	v10 =	vand.u32 $0xFFFF, v3;
	v11 =	vand.u32 $0xFFFF, v4  }
0xd6: {  	s21 =	sor.u32 s13, s25;
	v12 =	vld [tilespmem:s19+$0x0];
	v3 =	vmax.u32 v3, v4;
	v4 =	vand.u32 $0xFFFF, v5;
	v10 =	vmax.u32 v10, v11  }
0xd7: {  	s22 =	sor.u32 s13, s29;
	v11 =	vld [tilespmem:s21+$0x0];
	v3 =	vmax.u32 v3, v5;
	v5 =	vand.u32 $0xFFFF, v6;
	v4 =	vmax.u32 v10, v4  }
0xd8: {  	s23 =	sor.u32 s13, s30;
	v10 =	vld [tilespmem:s22+$0x0];
	v3 =	vmax.u32 v3, v6;
	v6 =	vand.u32 $0xFFFF, v7;
	v4 =	vmax.u32 v4, v5  }
0xd9: {  	s24 =	sor.u32 s13, s31;
	v5 =	vld [tilespmem:s23+$0x0];
	v3 =	vmax.u32 v3, v7;
	v7 =	vand.u32 $0xFFFF, v8;
	v4 =	vmax.u32 v4, v6  }
0xda: {  	s25 =	sor.u32 s13, s7;
	v6 =	vld [tilespmem:s24+$0x0];
	v3 =	vmax.u32 v3, v8;
	v8 =	vand.u32 $0xFFFF, v9;
	v4 =	vmax.u32 v4, v7  }
0xdb: {  	s26 =	sor.u32 s13, s8;
	v7 =	vld [tilespmem:s25+$0x0];
	v3 =	vmax.u32 v3, v9;
	v9 =	vand.u32 $0xFFFF, v12;
	v4 =	vmax.u32 v4, v8  }
0xdc: {  	s29 =	sor.u32 s13, s20;
	v8 =	vld [tilespmem:s26+$0x0];
	v12 =	vmax.u32 v3, v12;
	v4 =	vmax.u32 v4, v9  }
0xdd: {  	v3 =	vld [tilespmem:s29+$0x0];
	v9 =	vand.u32 $0xFFFF, v11;
	v11 =	vmax.u32 v12, v11;
	v63 =	vand.u32 $0xFFFF, v10  }
0xde: {  	v4 =	vmax.u32 v4, v9;
	v9 =	vmax.u32 v11, v10;
	v10 =	vand.u32 $0xFFFF, v5  }
0xdf: {  	v4 =	vmax.u32 v4, v63;
	v5 =	vmax.u32 v9, v5;
	v9 =	vand.u32 $0xFFFF, v6  }
0xe0: {  	v4 =	vmax.u32 v4, v10;
	v5 =	vmax.u32 v5, v6;
	v10 =	vand.u32 $0xFFFF, v7  }
0xe1: {  	s31 =	sor.u32 s13, s12;
	v9 =	vmax.u32 v4, v9;
	v5 =	vmax.u32 v5, v7;
	v6 =	vand.u32 $0xFFFF, v8  }
0xe2: {  	s28 =	sadd.s32 s13, s6;
	s30 =	simm.s32 $0x0;
	s26 =	simm.s32 $0x0;
	v4 =	vld [tilespmem:s31+$0x0];
	v7 =	vmax.u32 v9, v10;
	v8 =	vmax.u32 v5, v8;
	v5 =	vand.u32 $0xFFFF, v3  }
.LBB2_5:
0xe3: {  	_ =	sdelay $0x2  }
0xe4: {  	v6 =	vmax.u32 v7, v6;
	v3 =	vmax.u32 v8, v3  }
0xe5: {  	s5 =	sadd.s32 $0x100, s5;
	v5 =	vmax.u32 v6, v5;
	v7 =	vand.u32 $0xFFFF, v4;
	v3 =	vmax.u32 v3, v4  }
0xe6: {  	s26 =	sadd.s32 $0x20, s26;
	s12 =	sand.u32 $0xC00, s5;
	v4 =	vmax.u32 v5, v7;
	v3 =	vand.u32 $0xFFFF0000, v3  }
0xe7: {  	s0 =	sand.u32 $0x60, s26;
	s1 =	sor.u32 $0x4000, s12;
	v3 =	vor.u32 v4, v3  }
0xe8: {  	s4 =	sor.u32 $0x4080, s12;
	s2 =	sor.u32 s0, s1;
	[tilespmem:s28+$0x0] =	vst v3  }
0xe9: {  	s9 =	sor.u32 $0x4100, s12;
	s3 =	sor.u32 s0, s4;
	v3 =	vld [tilespmem:s2+$0x0]  }
0xea: {  	s6 =	sor.u32 $0x4180, s12;
	s24 =	sor.u32 s0, s9;
	v4 =	vld [tilespmem:s3+$0x0]  }
0xeb: {  	s7 =	sor.u32 $0x4200, s12;
	s25 =	sor.u32 s0, s6;
	v5 =	vld [tilespmem:s24+$0x0]  }
0xec: {  	s8 =	sor.u32 $0x4280, s12;
	s13 =	sor.u32 s0, s7;
	v6 =	vld [tilespmem:s25+$0x0]  }
0xed: {  	s10 =	sor.u32 $0x4300, s12;
	s14 =	sor.u32 s0, s8;
	v7 =	vld [tilespmem:s13+$0x0]  }
0xee: {  	s11 =	sor.u32 $0x4380, s12;
	s29 =	sor.u32 s0, s10;
	v8 =	vld [tilespmem:s14+$0x0]  }
0xef: {  	s19 =	sor.u32 s0, s11;
	s28 =	sor.u32 $0x5000, s12;
	v10 =	vld [tilespmem:s29+$0x0];
	v9 =	vand.u32 $0xFFFF, v3;
	v3 =	vmax.u32 v3, v4;
	v4 =	vand.u32 $0xFFFF, v4  }
0xf0: {  	s15 =	sor.u32 $0x5080, s12;
	s20 =	sor.u32 s0, s28;
	v4 =	vmax.u32 v9, v4;
	v3 =	vmax.u32 v3, v5;
	v5 =	vand.u32 $0xFFFF, v5;
	v9 =	vld [tilespmem:s19+$0x0]  }
0xf1: {  	s16 =	sor.u32 $0x5100, s12;
	s13 =	sor.u32 s0, s15;
	v4 =	vmax.u32 v4, v5;
	v3 =	vmax.u32 v3, v6;
	v5 =	vand.u32 $0xFFFF, v6;
	v6 =	vld [tilespmem:s20+$0x0]  }
0xf2: {  	s17 =	sor.u32 $0x5180, s12;
	s22 =	sor.u32 s0, s16;
	v4 =	vmax.u32 v4, v5;
	v3 =	vmax.u32 v3, v7;
	v5 =	vand.u32 $0xFFFF, v7;
	v7 =	vld [tilespmem:s13+$0x0]  }
0xf3: {  	s18 =	sor.u32 $0x5200, s12;
	s21 =	sor.u32 s0, s17;
	v4 =	vmax.u32 v4, v5;
	v3 =	vmax.u32 v3, v8;
	v5 =	vand.u32 $0xFFFF, v8;
	v8 =	vld [tilespmem:s22+$0x0]  }
0xf4: {  	[dreg:$0x4] =	wrdreg s5;
	s5 =	sor.u32 s0, s18;
	s2 =	sor.u32 $0x5280, s12;
	v4 =	vmax.u32 v4, v5;
	v3 =	vmax.u32 v3, v10;
	v5 =	vand.u32 $0xFFFF, v10;
	v10 =	vld [tilespmem:s21+$0x0]  }
0xf5: {  	s3 =	sor.u32 $0x5300, s12;
	s23 =	sor.u32 s0, s2;
	v4 =	vmax.u32 v4, v5;
	v3 =	vmax.u32 v3, v9;
	v5 =	vand.u32 $0xFFFF, v9;
	v9 =	vld [tilespmem:s5+$0x0]  }
0xf6: {  	s29 =	sor.u32 $0x5380, s12;
	s24 =	sor.u32 s0, s3;
	v4 =	vmax.u32 v4, v5;
	v3 =	vmax.u32 v3, v6;
	v5 =	vand.u32 $0xFFFF, v6;
	v6 =	vld [tilespmem:s23+$0x0]  }
0xf7: {  	s19 =	sor.u32 s0, s29;
	v4 =	vmax.u32 v4, v5;
	v3 =	vmax.u32 v3, v7;
	v5 =	vand.u32 $0xFFFF, v7;
	v7 =	vld [tilespmem:s24+$0x0]  }
0xf8: {  	v4 =	vmax.u32 v4, v5;
	v3 =	vmax.u32 v3, v8;
	v5 =	vand.u32 $0xFFFF, v8;
	v8 =	vld [tilespmem:s19+$0x0]  }
0xf9: {  	v4 =	vmax.u32 v4, v5;
	v3 =	vmax.u32 v3, v10;
	v5 =	vand.u32 $0xFFFF, v10  }
0xfa: {  	v4 =	vmax.u32 v4, v5;
	v3 =	vmax.u32 v3, v9;
	v5 =	vand.u32 $0xFFFF, v9  }
0xfb: {  	v4 =	vmax.u32 v4, v5;
	v3 =	vmax.u32 v3, v6;
	v5 =	vand.u32 $0xFFFF, v6  }
0xfc: {  	s31 =	rddreg [dreg:$0x3];
	v4 =	vmax.u32 v4, v5;
	v3 =	vmax.u32 v3, v7;
	v5 =	vand.u32 $0xFFFF, v7  }
0xfd: {  	s12 =	sadd.s32 s12, s31;
	v4 =	vmax.u32 v4, v5;
	v3 =	vmax.u32 v3, v8;
	v5 =	vand.u32 $0xFFFF, v8  }
0xfe: {  	s25 =	sadd.s32 $0x80, s12;
	v4 =	vmax.u32 v4, v5;
	v3 =	vand.u32 $0xFFFF0000, v3  }
0xff: {  	s14 =	sor.u32 $0x10, s0;
	s31 =	sadd.s32 s0, s25;
	v3 =	vor.u32 v4, v3  }
0x100: {  	s9 =	sor.u32 s14, s9;
	[tilespmem:s31+$0x0] =	vst v3  }
0x101: {  	s12 =	sor.u32 s14, s1;
	v3 =	vld [tilespmem:s9+$0x0]  }
0x102: {  	s13 =	sor.u32 s14, s4;
	v4 =	vld [tilespmem:s12+$0x0]  }
0x103: {  	s1 =	sor.u32 s14, s6;
	v5 =	vld [tilespmem:s13+$0x0]  }
0x104: {  	s22 =	sor.u32 s14, s7;
	v6 =	vld [tilespmem:s1+$0x0]  }
0x105: {  	s20 =	sor.u32 s14, s8;
	v7 =	vld [tilespmem:s22+$0x0]  }
0x106: {  	s4 =	sor.u32 s14, s10;
	v8 =	vld [tilespmem:s20+$0x0]  }
0x107: {  	s6 =	sor.u32 s14, s11;
	v10 =	vld [tilespmem:s4+$0x0];
	v9 =	vand.u32 $0xFFFF, v4  }
0x108: {  	s7 =	sor.u32 s14, s28;
	v12 =	vld [tilespmem:s6+$0x0];
	v4 =	vmax.u32 v4, v5;
	v5 =	vand.u32 $0xFFFF, v5;
	v11 =	vand.u32 $0xFFFF, v3  }
0x109: {  	s8 =	sor.u32 s14, s15;
	v5 =	vmax.u32 v9, v5;
	v3 =	vmax.u32 v4, v3;
	v4 =	vand.u32 $0xFFFF, v6;
	v9 =	vld [tilespmem:s7+$0x0]  }
0x10a: {  	s15 =	sor.u32 s14, s16;
	v5 =	vmax.u32 v5, v11;
	v3 =	vmax.u32 v3, v6;
	v6 =	vand.u32 $0xFFFF, v7;
	v11 =	vld [tilespmem:s8+$0x0]  }
0x10b: {  	s16 =	sor.u32 s14, s17;
	v4 =	vmax.u32 v5, v4;
	v3 =	vmax.u32 v3, v7;
	v5 =	vand.u32 $0xFFFF, v8;
	v7 =	vld [tilespmem:s15+$0x0]  }
0x10c: {  	s17 =	sor.u32 s14, s18;
	v4 =	vmax.u32 v4, v6;
	v3 =	vmax.u32 v3, v8;
	v6 =	vand.u32 $0xFFFF, v10;
	v8 =	vld [tilespmem:s16+$0x0]  }
0x10d: {  	s18 =	sor.u32 s14, s2;
	v4 =	vmax.u32 v4, v5;
	v3 =	vmax.u32 v3, v10;
	v5 =	vand.u32 $0xFFFF, v12;
	v10 =	vld [tilespmem:s17+$0x0]  }
0x10e: {  	s30 =	sadd.s32 $0x2, s30;
	s23 =	sor.u32 s14, s3;
	v63 =	vld [tilespmem:s18+$0x0];
	v4 =	vmax.u32 v4, v6;
	v3 =	vmax.u32 v3, v12;
	v6 =	vand.u32 $0xFFFF, v9  }
0x10f: {  	p1 =	slt.u32 s30, $0x1E;
	v4 =	vmax.u32 v4, v5;
	v5 =	vmax.u32 v3, v9;
	v9 =	vand.u32 $0xFFFF, v11;
	v3 =	vld [tilespmem:s23+$0x0]  }
.Ltmp3:
0x110: {  	v6 =	vmax.u32 v4, v6;
	v5 =	vmax.u32 v5, v11;
	v11 =	vand.u32 $0xFFFF, v7;
	(pc) =	sbr.rel @p1 .LBB2_5-.Ltmp3, $4  }
0x111: {  	v6 =	vmax.u32 v6, v9;
	v5 =	vmax.u32 v5, v7;
	v7 =	vand.u32 $0xFFFF, v8  }
0x112: {  	v6 =	vmax.u32 v6, v11;
	v5 =	vmax.u32 v5, v8;
	v8 =	vand.u32 $0xFFFF, v10  }
0x113: {  	s29 =	sor.u32 s14, s29;
	v7 =	vmax.u32 v6, v7;
	v5 =	vmax.u32 v5, v10;
	v6 =	vand.u32 $0xFFFF, v63  }
0x114: {  	s28 =	sadd.s32 s14, s25;
	s5 =	rddreg [dreg:$0x4];
	v4 =	vld [tilespmem:s29+$0x0];
	v7 =	vmax.u32 v7, v8;
	v8 =	vmax.u32 v5, v63;
	v5 =	vand.u32 $0xFFFF, v3  }
0x115: {  	_ =	sdelay $0x2  }
.Ltmp4:
0x116: {  	v6 =	vmax.u32 v7, v6;
	v3 =	vmax.u32 v8, v3;
	(pc) =	sbr.rel @p0 .LBB2_8-.Ltmp4, $4  }
0x117: {  	v5 =	vmax.u32 v6, v5;
	v62 =	vand.u32 $0xFFFF, v4;
	v3 =	vmax.u32 v3, v4  }
0x118: {  	v63 =	vmax.u32 v5, v62;
	v3 =	vand.u32 $0xFFFF0000, v3  }
0x119: {  	v3 =	vor.u32 v63, v3  }
0x11a: {  	[tilespmem:s28+$0x0] =	vst v3  }
0x11b: {  	s0 =	rddreg [dreg:$0xc]  }
0x11c: {  	s0 =	sshrl.u32 s0, $0x2  }
0x11d: {  	v3 =	vld [tilespmem:s0+$0x180];
	_ =	sdelay $0x4  }
0x11e: {  	v4 =	vshll.u32 v3, $0x2  }
0x11f: {  	v3 =	vand.u32 $0x7, v3;
	v4 =	vand.u32 $0xFFFFFFE0, v4  }
0x120: {  	v3 =	vor.u32 v3, v4  }
0x121: {  	v4 =	vperm.xlane v3, v0;
	_ =	sdelay $0x1  }
0x122: {  	v4 =	vadd.s32 v1, v4;
	_ =	sdelay $0x2  }
0x123: {  	v3 =	vperm.xlane v3, v2  }
0x124: {  	s28 =	simm.s32 $0x0;
	s21 =	rddreg [dreg:$0x5];
	s1 =	simm.s32 $0x4000  }
0x125: {  	v3 =	vadd.s32 v1, v3;
	[tilespmem:s1], [sflag:$0x2] =	stream.indirect_vreg.gather [hbm4b:s21+s28], $0x80, v4, vm0, $0xb8;
	[tilespmem:$0xE000] =	vst v63  }
0x126: {  	s23 =	rddreg [dreg:$0x7];
	s29 =	simm.s32 $0x4800  }
0x127: {  	[tilespmem:s29], [sflag:$0x2] =	stream.indirect_vreg.gather [hbm4b:s23+s28], $0x80, v4, vm0, $0xb8;
	[tilespmem:$0xE000] =	vst v63  }
.Ltmp5:
0x128: {  	_ = 	snop;
	(pc) =	sbr.rel .LBB2_2-.Ltmp5, $4  }
0x129: {  	s30 =	simm.s32 $0x5000;
	s5 =	rddreg [dreg:$0xb]  }
0x12a: {  	[tilespmem:s30], [sflag:$0x2] =	stream.indirect_vreg.gather [hbm4b:s21+s28], $0x80, v3, vm0, $0xb8;
	[tilespmem:$0xE000] =	vst v63  }
0x12b: {  	s31 =	simm.s32 $0x5800;
	s5 =	sadd.s32 $0x1, s5  }
0x12c: {  	[tilespmem:s31], [sflag:$0x2] =	stream.indirect_vreg.gather [hbm4b:s23+s28], $0x80, v3, vm0, $0xb8;
	[tilespmem:$0xE000] =	vst v63  }
.LBB2_9:
0x12d: {  	_ =	sfence.sel $0x180000  }
0x12e: {  	[bflag:$0x0] =	sbarrier.arrive $0xFFFF  }
0x12f: {  	_ =	strace $0x90000047  }
0x130: {  	s0 =	stileid.u32;
	[bflag:$0x2] =	sbarrier.arrive $0xFFFF  }
0x131: {  	p0 =	sne.s32 s0, $0x0;
	s0 =	rddreg [dreg:$0x2]  }
0x132: {  	s0 =	sadd.s32 @!p0 $0x100000, s0  }
0x133: {  	[sflag:s0] =	ssyncadd.tile.s32 @!p0 $0x1;
	_ =	shalt  }
.Lfunc_end2:
_tile_overlayer_lowered:
.L_overlay_start_2:
0x134: {  	(tag) =	ssettag $0x2  }
0x135: {  	s0 =	rddreg [dreg:$0x0];
	s2 =	stileid.u32  }
0x136: {  	s1 =	rddreg [dreg:$0x1];
	p0 =	sne.s32 s2, $0x0  }
0x137: {  	s3 =	rddreg [dreg:$0x2];
	[bflag:$0x3] =	sbarrier.arrive $0xFFFF;
	s2 =	simm.s32 @!p0 $0x1C03  }
0x138: {  	[timem:s3], [sflag:s2] =	dma.local @!p0 [hbm:s0], s1  }
0x139: {  	s0 =	simm.s32 @!p0 $0x3  }
0x13a: {  	_ =	swait.ge @!p0 [sflag:s0], s1  }
0x13b: {  	s1 =	ssub.s32 @!p0 $0x0, s1;
	[sflag:s0] =	ssyncset.done @!p0 $0x0  }
0x13c: {  	[sflag:s0] =	ssyncadd.s32 @!p0 s1  }
0x13d: {  	[bflag:$0x3] =	sbarrier.arrive $0xFFFF  }
0x13e: {  	_ =	shalt  }

</sc_bundles>
